<compile_context>
chip_gen: v7x
topology: tpu7x:2x2x1
jax: 0.10.2.dev20260603
libtpu: 0.0.44.dev20260713+nightly
codegen_flags: <defaults>
</compile_context>

<pallas_src>
import functools

import jax
import jax.numpy as jnp
from jax import lax
from jax.experimental import pallas as pl
from jax.experimental.pallas import tpu as pltpu
from jax.experimental.pallas import tpu_sc as plsc

_SAMPLE = 4000
_K = 8


def _sc_gather(tables, idx):
    E = idx.shape[0]
    nt = len(tables)
    info = plsc.get_sparse_core_info()
    NC, NS = info.num_cores, info.num_subcores
    NW = NC * NS
    per = E // NW
    mesh = plsc.VectorSubcoreMesh(core_axis_name="c", subcore_axis_name="s")

    @functools.partial(
        pl.kernel,
        mesh=mesh,
        out_type=tuple(
            jax.ShapeDtypeStruct((E,), jnp.float32) for _ in range(nt)
        ),
        scratch_types=[pltpu.VMEM((per,), jnp.int32)]
        + [pltpu.VMEM((per,), jnp.float32) for _ in range(nt)]
        + [pltpu.SemaphoreType.DMA for _ in range(nt)],
    )
    def k(*refs):
        t_hbm = refs[:nt]
        idx_hbm = refs[nt]
        o_hbm = refs[nt + 1 : 2 * nt + 1]
        idx_v = refs[2 * nt + 1]
        t_v = refs[2 * nt + 2 : 3 * nt + 2]
        sems = refs[3 * nt + 2 :]
        wid = lax.axis_index("s") * NC + lax.axis_index("c")
        base = wid * per
        pltpu.sync_copy(idx_hbm.at[pl.ds(base, per)], idx_v)
        cps = [
            pltpu.async_copy(t_hbm[j].at[idx_v], t_v[j], sems[j])
            for j in range(nt)
        ]
        for cp in cps:
            cp.wait()
        for j in range(nt):
            pltpu.sync_copy(t_v[j], o_hbm[j].at[pl.ds(base, per)])

    return k(*tables, idx)


def _knn_loss_body(rm_ref, rs_ref, cmt_ref, cst_ref, out_ref):
    i = pl.program_id(0)
    rm = rm_ref[...]
    rs = rs_ref[...]
    sqm = None
    sqs = None
    for c in range(3):
        dm = rm[:, c : c + 1] - cmt_ref[c : c + 1, :]
        dsh = rs[:, c : c + 1] - cst_ref[c : c + 1, :]
        sqm = dm * dm if sqm is None else sqm + dm * dm
        sqs = dsh * dsh if sqs is None else sqs + dsh * dsh
    colid = lax.broadcasted_iota(jnp.int32, sqm.shape, 1)
    d = sqm
    acc = jnp.float32(0.0)
    big_i = jnp.int32(2**30)
    for k in range(_K + 1):
        m = jnp.min(d, axis=1, keepdims=True)
        cand = jnp.where(d == m, colid, big_i)
        jmin = jnp.min(cand, axis=1, keepdims=True)
        sel = colid == jmin
        if k > 0:
            ssel = jnp.sum(
                jnp.where(sel, sqs, jnp.float32(0.0)), axis=1, keepdims=True
            )
            acc = acc + jnp.sum(jnp.exp(-jnp.sqrt(m)) * ssel)
        d = jnp.where(sel, jnp.float32(jnp.inf), d)

    @pl.when(i == 0)
    def _():
        out_ref[0, 0] = acc

    @pl.when(i > 0)
    def _():
        out_ref[0, 0] = out_ref[0, 0] + acc


def kernel(means, sh0):
    if sh0.ndim == 2:
        sh0 = sh0[:, None, :]
    num = means.shape[0]
    n = min(_SAMPLE, num)
    idx = jax.random.randint(jax.random.key(42), (n,), 0, num)
    E = ((n + 255) // 256) * 256
    idx_p = jnp.concatenate(
        [idx.astype(jnp.int32), jnp.zeros((E - n,), jnp.int32)]
    )
    cols = [means[:, c] + 0.0 * means[:, c] for c in range(3)] + [
        sh0[:, 0, c] + 0.0 * sh0[:, 0, c] for c in range(3)
    ]
    gathered = _sc_gather(cols, idx_p)
    smt = jnp.stack(gathered[:3], axis=0)[:, :n]
    sst = jnp.stack(gathered[3:], axis=0)[:, :n]
    sm = smt.T
    ss = sst.T

    rb = 400 if n % 400 == 0 else n
    grid = n // rb
    out = pl.pallas_call(
        _knn_loss_body,
        grid=(grid,),
        in_specs=[
            pl.BlockSpec((rb, 3), lambda i: (i, 0)),
            pl.BlockSpec((rb, 3), lambda i: (i, 0)),
            pl.BlockSpec((3, n), lambda i: (0, 0)),
            pl.BlockSpec((3, n), lambda i: (0, 0)),
        ],
        out_specs=pl.BlockSpec(
            (1, 1), lambda i: (0, 0), memory_space=pltpu.SMEM
        ),
        out_shape=jax.ShapeDtypeStruct((1, 1), jnp.float32),
    )(sm, ss, smt, sst)
    return out[0, 0] / jnp.float32(n * _K * 3)

# --- scband reference (transcript-rebuilt; emitter-appended) ---
"""Pipeline reference for scband-stochastic3-dknnsmoothness-loss-85933705658812 (READ-ONLY COPY).

The authoritative reference and input builder live on the scoring server;
editing this copy changes nothing except your own understanding.
"""

import jax, jax.numpy as jnp
import numpy as np

SAMPLE_SIZE = 4000
K = 8


def _safe_cdist(a, b):
    # faithful to torch.cdist (p=2) values, with safe sqrt so grads at the
    # zero diagonal are well-defined (torch.cdist uses subgradient 0 there)
    sq = jnp.sum((a[:, None, :] - b[None, :, :]) ** 2, axis=-1)
    pos = sq > 0
    return jnp.where(pos, jnp.sqrt(jnp.where(pos, sq, 1.0)), 0.0)


def setup_inputs(seed: int = 0) -> dict:
    key = jax.random.key(seed)
    k1, k2 = jax.random.split(key)
    means = jax.random.normal(k1, (2000000, 3), dtype=jnp.float32)
    sh0 = jax.random.normal(k2, (2000000, 1, 3), dtype=jnp.float32)
    return {"means": means, "sh0": sh0}


def reference(means, sh0):
    if sh0.ndim == 3 and sh0.shape[1] == 1:
        sh0 = jnp.squeeze(sh0, axis=1)
    num_splats = means.shape[0]
    n = min(SAMPLE_SIZE, num_splats)
    # stochastic sampling of splats (fixed key for reproducibility)
    idx = jax.random.randint(jax.random.key(42), (n,), 0, num_splats)
    sampled_means = jnp.take(means, idx, axis=0)
    sampled_sh0 = jnp.take(sh0, idx, axis=0)
    dist = _safe_cdist(sampled_means, sampled_means)
    # torch.topk(largest=False) == top_k of negated values
    _, knn_idx = jax.lax.top_k(-dist, K + 1)
    knn_idx = knn_idx[:, 1:]
    neighbors_sh0 = jnp.take(sampled_sh0, knn_idx, axis=0)
    sampled_sh0_expanded = jnp.broadcast_to(
        sampled_sh0[:, None, :], (n, K, sampled_sh0.shape[-1])
    )
    neighbor_distances = jnp.take_along_axis(dist, knn_idx, axis=1)[..., None]
    weight = jnp.exp(-neighbor_distances)
    loss = jnp.mean(weight * (sampled_sh0_expanded - neighbors_sh0) ** 2)
    return loss

if __name__ == "__main__":
    import jax
    _d = setup_inputs()
    print(jax.jit(kernel)(*tuple(_d.values())))

</pallas_src>

<mosaic_0001>
#map = affine_map<(d0, d1) -> (0)>
module attributes {stable_mosaic.version = 14 : i64} {
  func.func @k(%arg0: i32, %arg1: i32, %arg2: memref<2000000xf32, #tpu.memory_space<hbm>>, %arg3: memref<2000000xf32, #tpu.memory_space<hbm>>, %arg4: memref<2000000xf32, #tpu.memory_space<hbm>>, %arg5: memref<2000000xf32, #tpu.memory_space<hbm>>, %arg6: memref<2000000xf32, #tpu.memory_space<hbm>>, %arg7: memref<2000000xf32, #tpu.memory_space<hbm>>, %arg8: memref<4096xi32, #tpu.memory_space<hbm>>, %arg9: memref<4096xf32, #tpu.memory_space<hbm>>, %arg10: memref<4096xf32, #tpu.memory_space<hbm>>, %arg11: memref<4096xf32, #tpu.memory_space<hbm>>, %arg12: memref<4096xf32, #tpu.memory_space<hbm>>, %arg13: memref<4096xf32, #tpu.memory_space<hbm>>, %arg14: memref<4096xf32, #tpu.memory_space<hbm>>, %arg15: memref<128xi32, #tpu.memory_space<vmem>>, %arg16: memref<128xf32, #tpu.memory_space<vmem>>, %arg17: memref<128xf32, #tpu.memory_space<vmem>>, %arg18: memref<128xf32, #tpu.memory_space<vmem>>, %arg19: memref<128xf32, #tpu.memory_space<vmem>>, %arg20: memref<128xf32, #tpu.memory_space<vmem>>, %arg21: memref<128xf32, #tpu.memory_space<vmem>>, %arg22: memref<!tpu.dma_semaphore, #tpu.memory_space<semaphore_mem>>, %arg23: memref<!tpu.dma_semaphore, #tpu.memory_space<semaphore_mem>>, %arg24: memref<!tpu.dma_semaphore, #tpu.memory_space<semaphore_mem>>, %arg25: memref<!tpu.dma_semaphore, #tpu.memory_space<semaphore_mem>>, %arg26: memref<!tpu.dma_semaphore, #tpu.memory_space<semaphore_mem>>, %arg27: memref<!tpu.dma_semaphore, #tpu.memory_space<semaphore_mem>>) attributes {dimension_semantics = [#tpu.dimension_semantics<core_parallel>, #tpu.dimension_semantics<subcore_parallel>], iteration_bounds = array<i64: 2, 16>, scalar_prefetch = 0 : i64, scratch_operands = 13 : i64, tpu.core_type = #tpu.core_type<sc_vector_subcore>, window_params = [{transform_indices = #map}, {transform_indices = #map}, {transform_indices = #map}, {transform_indices = #map}, {transform_indices = #map}, {transform_indices = #map}, {transform_indices = #map}, {transform_indices = #map}, {transform_indices = #map}, {transform_indices = #map}, {transform_indices = #map}, {transform_indices = #map}, {transform_indices = #map}]} {
    %mul3A = arith.constant 2 : i32
    %mul3A_0 = arith.muli %arg1, %mul3A : i32
    %add3A = arith.addi %mul3A_0, %arg0 : i32
    %mul3A_1 = arith.constant 128 : i32
    %mul3A_2 = arith.muli %add3A, %mul3A_1 : i32
    "tpu.region"() ({
      %run_scoped3A = tpu.sem_alloc : memref<!tpu.dma_semaphore, #tpu.memory_space<semaphore_mem>>
      %dma_start3A_25 = tpu.memref_slice %arg8[%mul3A_2] : memref<4096xi32, #tpu.memory_space<hbm>> -> memref<128xi32, #tpu.memory_space<hbm>>
      %dma_start3A_26 = tpu.memref_slice %arg8[%mul3A_2] : memref<4096xi32, #tpu.memory_space<hbm>> -> memref<128xi32, #tpu.memory_space<hbm>>
      tpu.enqueue_dma source(%dma_start3A_26 : memref<128xi32, #tpu.memory_space<hbm>>) target(%arg15 : memref<128xi32, #tpu.memory_space<vmem>>) target_semaphore(%run_scoped3A : memref<!tpu.dma_semaphore, #tpu.memory_space<semaphore_mem>>)
      %dma_wait3A_27 = tpu.memref_slice %arg8[%mul3A_2] : memref<4096xi32, #tpu.memory_space<hbm>> -> memref<128xi32, #tpu.memory_space<hbm>>
      %dma_wait3A_28 = tpu.memref_slice %arg8[%mul3A_2] : memref<4096xi32, #tpu.memory_space<hbm>> -> memref<128xi32, #tpu.memory_space<hbm>>
      tpu.wait_dma2 semaphore(%run_scoped3A : memref<!tpu.dma_semaphore, #tpu.memory_space<semaphore_mem>>) src(%dma_wait3A_28 : memref<128xi32, #tpu.memory_space<hbm>>) dst(%arg15 : memref<128xi32, #tpu.memory_space<vmem>>)
      tpu.yield
    }) : () -> ()
    %dma_start3A = arith.constant 0 : i32
    %dma_start3A_3 = tpu.memref_slice %arg2[%dma_start3A] : memref<2000000xf32, #tpu.memory_space<hbm>> -> memref<2000000xf32, #tpu.memory_space<hbm>>
    tpu.enqueue_indirect_dma source(%dma_start3A_3 : memref<2000000xf32, #tpu.memory_space<hbm>>) target(%arg16 : memref<128xf32, #tpu.memory_space<vmem>>) offsets(%arg15 : memref<128xi32, #tpu.memory_space<vmem>>) semaphore(%arg22 : memref<!tpu.dma_semaphore, #tpu.memory_space<semaphore_mem>>)
    %dma_start3A_4 = arith.constant 0 : i32
    %dma_start3A_5 = tpu.memref_slice %arg3[%dma_start3A_4] : memref<2000000xf32, #tpu.memory_space<hbm>> -> memref<2000000xf32, #tpu.memory_space<hbm>>
    tpu.enqueue_indirect_dma source(%dma_start3A_5 : memref<2000000xf32, #tpu.memory_space<hbm>>) target(%arg17 : memref<128xf32, #tpu.memory_space<vmem>>) offsets(%arg15 : memref<128xi32, #tpu.memory_space<vmem>>) semaphore(%arg23 : memref<!tpu.dma_semaphore, #tpu.memory_space<semaphore_mem>>)
    %dma_start3A_6 = arith.constant 0 : i32
    %dma_start3A_7 = tpu.memref_slice %arg4[%dma_start3A_6] : memref<2000000xf32, #tpu.memory_space<hbm>> -> memref<2000000xf32, #tpu.memory_space<hbm>>
    tpu.enqueue_indirect_dma source(%dma_start3A_7 : memref<2000000xf32, #tpu.memory_space<hbm>>) target(%arg18 : memref<128xf32, #tpu.memory_space<vmem>>) offsets(%arg15 : memref<128xi32, #tpu.memory_space<vmem>>) semaphore(%arg24 : memref<!tpu.dma_semaphore, #tpu.memory_space<semaphore_mem>>)
    %dma_start3A_8 = arith.constant 0 : i32
    %dma_start3A_9 = tpu.memref_slice %arg5[%dma_start3A_8] : memref<2000000xf32, #tpu.memory_space<hbm>> -> memref<2000000xf32, #tpu.memory_space<hbm>>
    tpu.enqueue_indirect_dma source(%dma_start3A_9 : memref<2000000xf32, #tpu.memory_space<hbm>>) target(%arg19 : memref<128xf32, #tpu.memory_space<vmem>>) offsets(%arg15 : memref<128xi32, #tpu.memory_space<vmem>>) semaphore(%arg25 : memref<!tpu.dma_semaphore, #tpu.memory_space<semaphore_mem>>)
    %dma_start3A_10 = arith.constant 0 : i32
    %dma_start3A_11 = tpu.memref_slice %arg6[%dma_start3A_10] : memref<2000000xf32, #tpu.memory_space<hbm>> -> memref<2000000xf32, #tpu.memory_space<hbm>>
    tpu.enqueue_indirect_dma source(%dma_start3A_11 : memref<2000000xf32, #tpu.memory_space<hbm>>) target(%arg20 : memref<128xf32, #tpu.memory_space<vmem>>) offsets(%arg15 : memref<128xi32, #tpu.memory_space<vmem>>) semaphore(%arg26 : memref<!tpu.dma_semaphore, #tpu.memory_space<semaphore_mem>>)
    %dma_start3A_12 = arith.constant 0 : i32
    %dma_start3A_13 = tpu.memref_slice %arg7[%dma_start3A_12] : memref<2000000xf32, #tpu.memory_space<hbm>> -> memref<2000000xf32, #tpu.memory_space<hbm>>
    tpu.enqueue_indirect_dma source(%dma_start3A_13 : memref<2000000xf32, #tpu.memory_space<hbm>>) target(%arg21 : memref<128xf32, #tpu.memory_space<vmem>>) offsets(%arg15 : memref<128xi32, #tpu.memory_space<vmem>>) semaphore(%arg27 : memref<!tpu.dma_semaphore, #tpu.memory_space<semaphore_mem>>)
    %dma_wait3A = arith.constant 0 : i32
    %dma_wait3A_14 = tpu.memref_slice %arg2[%dma_wait3A] : memref<2000000xf32, #tpu.memory_space<hbm>> -> memref<2000000xf32, #tpu.memory_space<hbm>>
    tpu.wait_indirect_dma semaphore(%arg22 : memref<!tpu.dma_semaphore, #tpu.memory_space<semaphore_mem>>) src(%dma_wait3A_14 : memref<2000000xf32, #tpu.memory_space<hbm>>) dst(%arg16 : memref<128xf32, #tpu.memory_space<vmem>>)
    %dma_wait3A_15 = arith.constant 0 : i32
    %dma_wait3A_16 = tpu.memref_slice %arg3[%dma_wait3A_15] : memref<2000000xf32, #tpu.memory_space<hbm>> -> memref<2000000xf32, #tpu.memory_space<hbm>>
    tpu.wait_indirect_dma semaphore(%arg23 : memref<!tpu.dma_semaphore, #tpu.memory_space<semaphore_mem>>) src(%dma_wait3A_16 : memref<2000000xf32, #tpu.memory_space<hbm>>) dst(%arg17 : memref<128xf32, #tpu.memory_space<vmem>>)
    %dma_wait3A_17 = arith.constant 0 : i32
    %dma_wait3A_18 = tpu.memref_slice %arg4[%dma_wait3A_17] : memref<2000000xf32, #tpu.memory_space<hbm>> -> memref<2000000xf32, #tpu.memory_space<hbm>>
    tpu.wait_indirect_dma semaphore(%arg24 : memref<!tpu.dma_semaphore, #tpu.memory_space<semaphore_mem>>) src(%dma_wait3A_18 : memref<2000000xf32, #tpu.memory_space<hbm>>) dst(%arg18 : memref<128xf32, #tpu.memory_space<vmem>>)
    %dma_wait3A_19 = arith.constant 0 : i32
    %dma_wait3A_20 = tpu.memref_slice %arg5[%dma_wait3A_19] : memref<2000000xf32, #tpu.memory_space<hbm>> -> memref<2000000xf32, #tpu.memory_space<hbm>>
    tpu.wait_indirect_dma semaphore(%arg25 : memref<!tpu.dma_semaphore, #tpu.memory_space<semaphore_mem>>) src(%dma_wait3A_20 : memref<2000000xf32, #tpu.memory_space<hbm>>) dst(%arg19 : memref<128xf32, #tpu.memory_space<vmem>>)
    %dma_wait3A_21 = arith.constant 0 : i32
    %dma_wait3A_22 = tpu.memref_slice %arg6[%dma_wait3A_21] : memref<2000000xf32, #tpu.memory_space<hbm>> -> memref<2000000xf32, #tpu.memory_space<hbm>>
    tpu.wait_indirect_dma semaphore(%arg26 : memref<!tpu.dma_semaphore, #tpu.memory_space<semaphore_mem>>) src(%dma_wait3A_22 : memref<2000000xf32, #tpu.memory_space<hbm>>) dst(%arg20 : memref<128xf32, #tpu.memory_space<vmem>>)
    %dma_wait3A_23 = arith.constant 0 : i32
    %dma_wait3A_24 = tpu.memref_slice %arg7[%dma_wait3A_23] : memref<2000000xf32, #tpu.memory_space<hbm>> -> memref<2000000xf32, #tpu.memory_space<hbm>>
    tpu.wait_indirect_dma semaphore(%arg27 : memref<!tpu.dma_semaphore, #tpu.memory_space<semaphore_mem>>) src(%dma_wait3A_24 : memref<2000000xf32, #tpu.memory_space<hbm>>) dst(%arg21 : memref<128xf32, #tpu.memory_space<vmem>>)
    "tpu.region"() ({
      %run_scoped3A = tpu.sem_alloc : memref<!tpu.dma_semaphore, #tpu.memory_space<semaphore_mem>>
      %dma_start3A_25 = tpu.memref_slice %arg9[%mul3A_2] : memref<4096xf32, #tpu.memory_space<hbm>> -> memref<128xf32, #tpu.memory_space<hbm>>
      %dma_start3A_26 = tpu.memref_slice %arg9[%mul3A_2] : memref<4096xf32, #tpu.memory_space<hbm>> -> memref<128xf32, #tpu.memory_space<hbm>>
      tpu.enqueue_dma source(%arg16 : memref<128xf32, #tpu.memory_space<vmem>>) target(%dma_start3A_26 : memref<128xf32, #tpu.memory_space<hbm>>) target_semaphore(%run_scoped3A : memref<!tpu.dma_semaphore, #tpu.memory_space<semaphore_mem>>)
      %dma_wait3A_27 = tpu.memref_slice %arg9[%mul3A_2] : memref<4096xf32, #tpu.memory_space<hbm>> -> memref<128xf32, #tpu.memory_space<hbm>>
      %dma_wait3A_28 = tpu.memref_slice %arg9[%mul3A_2] : memref<4096xf32, #tpu.memory_space<hbm>> -> memref<128xf32, #tpu.memory_space<hbm>>
      tpu.wait_dma2 semaphore(%run_scoped3A : memref<!tpu.dma_semaphore, #tpu.memory_space<semaphore_mem>>) src(%arg16 : memref<128xf32, #tpu.memory_space<vmem>>) dst(%dma_wait3A_28 : memref<128xf32, #tpu.memory_space<hbm>>)
      tpu.yield
    }) : () -> ()
    "tpu.region"() ({
      %run_scoped3A = tpu.sem_alloc : memref<!tpu.dma_semaphore, #tpu.memory_space<semaphore_mem>>
      %dma_start3A_25 = tpu.memref_slice %arg10[%mul3A_2] : memref<4096xf32, #tpu.memory_space<hbm>> -> memref<128xf32, #tpu.memory_space<hbm>>
      %dma_start3A_26 = tpu.memref_slice %arg10[%mul3A_2] : memref<4096xf32, #tpu.memory_space<hbm>> -> memref<128xf32, #tpu.memory_space<hbm>>
      tpu.enqueue_dma source(%arg17 : memref<128xf32, #tpu.memory_space<vmem>>) target(%dma_start3A_26 : memref<128xf32, #tpu.memory_space<hbm>>) target_semaphore(%run_scoped3A : memref<!tpu.dma_semaphore, #tpu.memory_space<semaphore_mem>>)
      %dma_wait3A_27 = tpu.memref_slice %arg10[%mul3A_2] : memref<4096xf32, #tpu.memory_space<hbm>> -> memref<128xf32, #tpu.memory_space<hbm>>
      %dma_wait3A_28 = tpu.memref_slice %arg10[%mul3A_2] : memref<4096xf32, #tpu.memory_space<hbm>> -> memref<128xf32, #tpu.memory_space<hbm>>
      tpu.wait_dma2 semaphore(%run_scoped3A : memref<!tpu.dma_semaphore, #tpu.memory_space<semaphore_mem>>) src(%arg17 : memref<128xf32, #tpu.memory_space<vmem>>) dst(%dma_wait3A_28 : memref<128xf32, #tpu.memory_space<hbm>>)
      tpu.yield
    }) : () -> ()
    "tpu.region"() ({
      %run_scoped3A = tpu.sem_alloc : memref<!tpu.dma_semaphore, #tpu.memory_space<semaphore_mem>>
      %dma_start3A_25 = tpu.memref_slice %arg11[%mul3A_2] : memref<4096xf32, #tpu.memory_space<hbm>> -> memref<128xf32, #tpu.memory_space<hbm>>
      %dma_start3A_26 = tpu.memref_slice %arg11[%mul3A_2] : memref<4096xf32, #tpu.memory_space<hbm>> -> memref<128xf32, #tpu.memory_space<hbm>>
      tpu.enqueue_dma source(%arg18 : memref<128xf32, #tpu.memory_space<vmem>>) target(%dma_start3A_26 : memref<128xf32, #tpu.memory_space<hbm>>) target_semaphore(%run_scoped3A : memref<!tpu.dma_semaphore, #tpu.memory_space<semaphore_mem>>)
      %dma_wait3A_27 = tpu.memref_slice %arg11[%mul3A_2] : memref<4096xf32, #tpu.memory_space<hbm>> -> memref<128xf32, #tpu.memory_space<hbm>>
      %dma_wait3A_28 = tpu.memref_slice %arg11[%mul3A_2] : memref<4096xf32, #tpu.memory_space<hbm>> -> memref<128xf32, #tpu.memory_space<hbm>>
      tpu.wait_dma2 semaphore(%run_scoped3A : memref<!tpu.dma_semaphore, #tpu.memory_space<semaphore_mem>>) src(%arg18 : memref<128xf32, #tpu.memory_space<vmem>>) dst(%dma_wait3A_28 : memref<128xf32, #tpu.memory_space<hbm>>)
      tpu.yield
    }) : () -> ()
    "tpu.region"() ({
      %run_scoped3A = tpu.sem_alloc : memref<!tpu.dma_semaphore, #tpu.memory_space<semaphore_mem>>
      %dma_start3A_25 = tpu.memref_slice %arg12[%mul3A_2] : memref<4096xf32, #tpu.memory_space<hbm>> -> memref<128xf32, #tpu.memory_space<hbm>>
      %dma_start3A_26 = tpu.memref_slice %arg12[%mul3A_2] : memref<4096xf32, #tpu.memory_space<hbm>> -> memref<128xf32, #tpu.memory_space<hbm>>
      tpu.enqueue_dma source(%arg19 : memref<128xf32, #tpu.memory_space<vmem>>) target(%dma_start3A_26 : memref<128xf32, #tpu.memory_space<hbm>>) target_semaphore(%run_scoped3A : memref<!tpu.dma_semaphore, #tpu.memory_space<semaphore_mem>>)
      %dma_wait3A_27 = tpu.memref_slice %arg12[%mul3A_2] : memref<4096xf32, #tpu.memory_space<hbm>> -> memref<128xf32, #tpu.memory_space<hbm>>
      %dma_wait3A_28 = tpu.memref_slice %arg12[%mul3A_2] : memref<4096xf32, #tpu.memory_space<hbm>> -> memref<128xf32, #tpu.memory_space<hbm>>
      tpu.wait_dma2 semaphore(%run_scoped3A : memref<!tpu.dma_semaphore, #tpu.memory_space<semaphore_mem>>) src(%arg19 : memref<128xf32, #tpu.memory_space<vmem>>) dst(%dma_wait3A_28 : memref<128xf32, #tpu.memory_space<hbm>>)
      tpu.yield
    }) : () -> ()
    "tpu.region"() ({
      %run_scoped3A = tpu.sem_alloc : memref<!tpu.dma_semaphore, #tpu.memory_space<semaphore_mem>>
      %dma_start3A_25 = tpu.memref_slice %arg13[%mul3A_2] : memref<4096xf32, #tpu.memory_space<hbm>> -> memref<128xf32, #tpu.memory_space<hbm>>
      %dma_start3A_26 = tpu.memref_slice %arg13[%mul3A_2] : memref<4096xf32, #tpu.memory_space<hbm>> -> memref<128xf32, #tpu.memory_space<hbm>>
      tpu.enqueue_dma source(%arg20 : memref<128xf32, #tpu.memory_space<vmem>>) target(%dma_start3A_26 : memref<128xf32, #tpu.memory_space<hbm>>) target_semaphore(%run_scoped3A : memref<!tpu.dma_semaphore, #tpu.memory_space<semaphore_mem>>)
      %dma_wait3A_27 = tpu.memref_slice %arg13[%mul3A_2] : memref<4096xf32, #tpu.memory_space<hbm>> -> memref<128xf32, #tpu.memory_space<hbm>>
      %dma_wait3A_28 = tpu.memref_slice %arg13[%mul3A_2] : memref<4096xf32, #tpu.memory_space<hbm>> -> memref<128xf32, #tpu.memory_space<hbm>>
      tpu.wait_dma2 semaphore(%run_scoped3A : memref<!tpu.dma_semaphore, #tpu.memory_space<semaphore_mem>>) src(%arg20 : memref<128xf32, #tpu.memory_space<vmem>>) dst(%dma_wait3A_28 : memref<128xf32, #tpu.memory_space<hbm>>)
      tpu.yield
    }) : () -> ()
    "tpu.region"() ({
      %run_scoped3A = tpu.sem_alloc : memref<!tpu.dma_semaphore, #tpu.memory_space<semaphore_mem>>
      %dma_start3A_25 = tpu.memref_slice %arg14[%mul3A_2] : memref<4096xf32, #tpu.memory_space<hbm>> -> memref<128xf32, #tpu.memory_space<hbm>>
      %dma_start3A_26 = tpu.memref_slice %arg14[%mul3A_2] : memref<4096xf32, #tpu.memory_space<hbm>> -> memref<128xf32, #tpu.memory_space<hbm>>
      tpu.enqueue_dma source(%arg21 : memref<128xf32, #tpu.memory_space<vmem>>) target(%dma_start3A_26 : memref<128xf32, #tpu.memory_space<hbm>>) target_semaphore(%run_scoped3A : memref<!tpu.dma_semaphore, #tpu.memory_space<semaphore_mem>>)
      %dma_wait3A_27 = tpu.memref_slice %arg14[%mul3A_2] : memref<4096xf32, #tpu.memory_space<hbm>> -> memref<128xf32, #tpu.memory_space<hbm>>
      %dma_wait3A_28 = tpu.memref_slice %arg14[%mul3A_2] : memref<4096xf32, #tpu.memory_space<hbm>> -> memref<128xf32, #tpu.memory_space<hbm>>
      tpu.wait_dma2 semaphore(%run_scoped3A : memref<!tpu.dma_semaphore, #tpu.memory_space<semaphore_mem>>) src(%arg21 : memref<128xf32, #tpu.memory_space<vmem>>) dst(%dma_wait3A_28 : memref<128xf32, #tpu.memory_space<hbm>>)
      tpu.yield
    }) : () -> ()
    return
  }
}

module attributes {stable_mosaic.version = 14 : i64} {
  func.func @_knn_loss_body(%arg0: i32, %arg1: memref<400x3xf32, #tpu.memory_space<vmem>>, %arg2: memref<400x3xf32, #tpu.memory_space<vmem>>, %arg3: memref<3x4000xf32, #tpu.memory_space<vmem>>, %arg4: memref<3x4000xf32, #tpu.memory_space<vmem>>, %arg5: memref<1x1xf32, #tpu.memory_space<smem>>) attributes {dimension_semantics = [#tpu.dimension_semantics<arbitrary>], iteration_bounds = array<i64: 10>, scalar_prefetch = 0 : i64, scratch_operands = 0 : i64, tpu.core_type = #tpu.core_type<tc>, window_params = [{transform_indices = @transform_0, window_bounds = array<i64: 400, 3>}, {transform_indices = @transform_1, window_bounds = array<i64: 400, 3>}, {pipeline_mode = #tpu.pipeline_mode<synchronous>, transform_indices = @transform_2, window_bounds = array<i64: 3, 4000>}, {pipeline_mode = #tpu.pipeline_mode<synchronous>, transform_indices = @transform_3, window_bounds = array<i64: 3, 4000>}, {transform_indices = @transform_4, window_bounds = array<i64: 1, 1>}]} {
    %get3A = arith.constant 0 : index
    %get3A_0 = arith.constant 0 : index
    %get3A_1 = vector.load %arg1[%get3A, %get3A_0] : memref<400x3xf32, #tpu.memory_space<vmem>>, vector<400x3xf32>
    %get3A_2 = arith.constant 0 : index
    %get3A_3 = arith.constant 0 : index
    %get3A_4 = vector.load %arg2[%get3A_2, %get3A_3] : memref<400x3xf32, #tpu.memory_space<vmem>>, vector<400x3xf32>
    %slice3A = vector.extract_strided_slice %get3A_1 {offsets = [0, 0], sizes = [400, 1], strides = [1, 1]} : vector<400x3xf32> to vector<400x1xf32>
    %get3A_5 = arith.constant 0 : index
    %get3A_6 = arith.constant 0 : index
    %get3A_7 = vector.load %arg3[%get3A_5, %get3A_6] : memref<3x4000xf32, #tpu.memory_space<vmem>>, vector<1x4000xf32>
    %sub3A = vector.broadcast %slice3A : vector<400x1xf32> to vector<400x4000xf32>
    %sub3A_8 = vector.broadcast %get3A_7 : vector<1x4000xf32> to vector<400x4000xf32>
    %sub3A_9 = arith.subf %sub3A, %sub3A_8 : vector<400x4000xf32>
    %slice3A_10 = vector.extract_strided_slice %get3A_4 {offsets = [0, 0], sizes = [400, 1], strides = [1, 1]} : vector<400x3xf32> to vector<400x1xf32>
    %get3A_11 = arith.constant 0 : index
    %get3A_12 = arith.constant 0 : index
    %get3A_13 = vector.load %arg4[%get3A_11, %get3A_12] : memref<3x4000xf32, #tpu.memory_space<vmem>>, vector<1x4000xf32>
    %sub3A_14 = vector.broadcast %slice3A_10 : vector<400x1xf32> to vector<400x4000xf32>
    %sub3A_15 = vector.broadcast %get3A_13 : vector<1x4000xf32> to vector<400x4000xf32>
    %sub3A_16 = arith.subf %sub3A_14, %sub3A_15 : vector<400x4000xf32>
    %mul3A = arith.mulf %sub3A_9, %sub3A_9 : vector<400x4000xf32>
    %mul3A_17 = arith.mulf %sub3A_16, %sub3A_16 : vector<400x4000xf32>
    %slice3A_18 = vector.extract_strided_slice %get3A_1 {offsets = [0, 1], sizes = [400, 1], strides = [1, 1]} : vector<400x3xf32> to vector<400x1xf32>
    %get3A_19 = arith.constant 1 : index
    %get3A_20 = arith.constant 0 : index
    %get3A_21 = vector.load %arg3[%get3A_19, %get3A_20] : memref<3x4000xf32, #tpu.memory_space<vmem>>, vector<1x4000xf32>
    %sub3A_22 = vector.broadcast %slice3A_18 : vector<400x1xf32> to vector<400x4000xf32>
    %sub3A_23 = vector.broadcast %get3A_21 : vector<1x4000xf32> to vector<400x4000xf32>
    %sub3A_24 = arith.subf %sub3A_22, %sub3A_23 : vector<400x4000xf32>
    %slice3A_25 = vector.extract_strided_slice %get3A_4 {offsets = [0, 1], sizes = [400, 1], strides = [1, 1]} : vector<400x3xf32> to vector<400x1xf32>
    %get3A_26 = arith.constant 1 : index
    %get3A_27 = arith.constant 0 : index
    %get3A_28 = vector.load %arg4[%get3A_26, %get3A_27] : memref<3x4000xf32, #tpu.memory_space<vmem>>, vector<1x4000xf32>
    %sub3A_29 = vector.broadcast %slice3A_25 : vector<400x1xf32> to vector<400x4000xf32>
    %sub3A_30 = vector.broadcast %get3A_28 : vector<1x4000xf32> to vector<400x4000xf32>
    %sub3A_31 = arith.subf %sub3A_29, %sub3A_30 : vector<400x4000xf32>
    %mul3A_32 = arith.mulf %sub3A_24, %sub3A_24 : vector<400x4000xf32>
    %add3A = arith.addf %mul3A, %mul3A_32 : vector<400x4000xf32>
    %mul3A_33 = arith.mulf %sub3A_31, %sub3A_31 : vector<400x4000xf32>
    %add3A_34 = arith.addf %mul3A_17, %mul3A_33 : vector<400x4000xf32>
    %slice3A_35 = vector.extract_strided_slice %get3A_1 {offsets = [0, 2], sizes = [400, 1], strides = [1, 1]} : vector<400x3xf32> to vector<400x1xf32>
    %get3A_36 = arith.constant 2 : index
    %get3A_37 = arith.constant 0 : index
    %get3A_38 = vector.load %arg3[%get3A_36, %get3A_37] : memref<3x4000xf32, #tpu.memory_space<vmem>>, vector<1x4000xf32>
    %sub3A_39 = vector.broadcast %slice3A_35 : vector<400x1xf32> to vector<400x4000xf32>
    %sub3A_40 = vector.broadcast %get3A_38 : vector<1x4000xf32> to vector<400x4000xf32>
    %sub3A_41 = arith.subf %sub3A_39, %sub3A_40 : vector<400x4000xf32>
    %slice3A_42 = vector.extract_strided_slice %get3A_4 {offsets = [0, 2], sizes = [400, 1], strides = [1, 1]} : vector<400x3xf32> to vector<400x1xf32>
    %get3A_43 = arith.constant 2 : index
    %get3A_44 = arith.constant 0 : index
    %get3A_45 = vector.load %arg4[%get3A_43, %get3A_44] : memref<3x4000xf32, #tpu.memory_space<vmem>>, vector<1x4000xf32>
    %sub3A_46 = vector.broadcast %slice3A_42 : vector<400x1xf32> to vector<400x4000xf32>
    %sub3A_47 = vector.broadcast %get3A_45 : vector<1x4000xf32> to vector<400x4000xf32>
    %sub3A_48 = arith.subf %sub3A_46, %sub3A_47 : vector<400x4000xf32>
    %mul3A_49 = arith.mulf %sub3A_41, %sub3A_41 : vector<400x4000xf32>
    %add3A_50 = arith.addf %add3A, %mul3A_49 : vector<400x4000xf32>
    %mul3A_51 = arith.mulf %sub3A_48, %sub3A_48 : vector<400x4000xf32>
    %add3A_52 = arith.addf %add3A_34, %mul3A_51 : vector<400x4000xf32>
    %iota3A = tpu.iota {dimensions = array<i32: 1>} : vector<400x4000xi32>
    %reduce_min3A = arith.constant dense<0x7F800000> : vector<400xf32>
    %reduce_min3A_53 = vector.multi_reduction <minimumf>, %add3A_50, %reduce_min3A [1] : vector<400x4000xf32> to vector<400xf32>
    %broadcast_in_dim3A = vector.shape_cast %reduce_min3A_53 : vector<400xf32> to vector<400x1xf32>
    %eq3A = vector.broadcast %broadcast_in_dim3A : vector<400x1xf32> to vector<400x4000xf32>
    %eq3A_54 = arith.cmpf oeq, %add3A_50, %eq3A : vector<400x4000xf32>
    %jit3A = arith.constant 1073741824 : i32
    %broadcast_in_dim3A_55 = vector.broadcast %jit3A : i32 to vector<400x4000xi32>
    %select_n3A = arith.select %eq3A_54, %iota3A, %broadcast_in_dim3A_55 : vector<400x4000xi1>, vector<400x4000xi32>
    %reduce_min3A_56 = arith.constant dense<2147483647> : vector<400xi32>
    %reduce_min3A_57 = vector.multi_reduction <minsi>, %select_n3A, %reduce_min3A_56 [1] : vector<400x4000xi32> to vector<400xi32>
    %broadcast_in_dim3A_58 = vector.shape_cast %reduce_min3A_57 : vector<400xi32> to vector<400x1xi32>
    %eq3A_59 = vector.broadcast %broadcast_in_dim3A_58 : vector<400x1xi32> to vector<400x4000xi32>
    %eq3A_60 = arith.cmpi eq, %iota3A, %eq3A_59 : vector<400x4000xi32>
    %jit3A_61 = arith.constant 0x7F800000 : f32
    %broadcast_in_dim3A_62 = vector.broadcast %jit3A_61 : f32 to vector<400x4000xf32>
    %select_n3A_63 = arith.select %eq3A_60, %broadcast_in_dim3A_62, %add3A_50 : vector<400x4000xi1>, vector<400x4000xf32>
    %reduce_min3A_64 = arith.constant dense<0x7F800000> : vector<400xf32>
    %reduce_min3A_65 = vector.multi_reduction <minimumf>, %select_n3A_63, %reduce_min3A_64 [1] : vector<400x4000xf32> to vector<400xf32>
    %broadcast_in_dim3A_66 = vector.shape_cast %reduce_min3A_65 : vector<400xf32> to vector<400x1xf32>
    %eq3A_67 = vector.broadcast %broadcast_in_dim3A_66 : vector<400x1xf32> to vector<400x4000xf32>
    %eq3A_68 = arith.cmpf oeq, %select_n3A_63, %eq3A_67 : vector<400x4000xf32>
    %jit3A_69 = arith.constant 1073741824 : i32
    %broadcast_in_dim3A_70 = vector.broadcast %jit3A_69 : i32 to vector<400x4000xi32>
    %select_n3A_71 = arith.select %eq3A_68, %iota3A, %broadcast_in_dim3A_70 : vector<400x4000xi1>, vector<400x4000xi32>
    %reduce_min3A_72 = arith.constant dense<2147483647> : vector<400xi32>
    %reduce_min3A_73 = vector.multi_reduction <minsi>, %select_n3A_71, %reduce_min3A_72 [1] : vector<400x4000xi32> to vector<400xi32>
    %broadcast_in_dim3A_74 = vector.shape_cast %reduce_min3A_73 : vector<400xi32> to vector<400x1xi32>
    %eq3A_75 = vector.broadcast %broadcast_in_dim3A_74 : vector<400x1xi32> to vector<400x4000xi32>
    %eq3A_76 = arith.cmpi eq, %iota3A, %eq3A_75 : vector<400x4000xi32>
    %jit3A_77 = arith.constant 0.000000e+00 : f32
    %broadcast_in_dim3A_78 = vector.broadcast %jit3A_77 : f32 to vector<400x4000xf32>
    %select_n3A_79 = arith.select %eq3A_76, %add3A_52, %broadcast_in_dim3A_78 : vector<400x4000xi1>, vector<400x4000xf32>
    %reduce_sum3A = arith.constant dense<0.000000e+00> : vector<400xf32>
    %reduce_sum3A_80 = vector.multi_reduction <add>, %select_n3A_79, %reduce_sum3A [1] : vector<400x4000xf32> to vector<400xf32>
    %broadcast_in_dim3A_81 = vector.shape_cast %reduce_sum3A_80 : vector<400xf32> to vector<400x1xf32>
    %sqrt3A = math.sqrt %broadcast_in_dim3A_66 : vector<400x1xf32>
    %neg3A = arith.constant 0.000000e+00 : f32
    %neg3A_82 = vector.broadcast %neg3A : f32 to vector<400x1xf32>
    %neg3A_83 = arith.subf %neg3A_82, %sqrt3A : vector<400x1xf32>
    %exp3A = math.exp %neg3A_83 : vector<400x1xf32>
    %mul3A_84 = arith.mulf %exp3A, %broadcast_in_dim3A_81 : vector<400x1xf32>
    %reduce_sum3A_85 = vector.shape_cast %mul3A_84 : vector<400x1xf32> to vector<1x400x1xf32>
    %reduce_sum3A_86 = arith.constant dense<0.000000e+00> : vector<1xf32>
    %reduce_sum3A_87 = vector.multi_reduction <add>, %reduce_sum3A_85, %reduce_sum3A_86 [1, 2] : vector<1x400x1xf32> to vector<1xf32>
    %reduce_sum3A_88 = vector.shape_cast %reduce_sum3A_87 : vector<1xf32> to vector<1x1x1xf32>
    %reduce_sum3A_89 = vector.extract %reduce_sum3A_88[0, 0, 0] : f32 from vector<1x1x1xf32>
    %add3A_90 = arith.constant 0.000000e+00 : f32
    %add3A_91 = arith.addf %add3A_90, %reduce_sum3A_89 : f32
    %jit3A_92 = arith.constant 0x7F800000 : f32
    %broadcast_in_dim3A_93 = vector.broadcast %jit3A_92 : f32 to vector<400x4000xf32>
    %select_n3A_94 = arith.select %eq3A_76, %broadcast_in_dim3A_93, %select_n3A_63 : vector<400x4000xi1>, vector<400x4000xf32>
    %reduce_min3A_95 = arith.constant dense<0x7F800000> : vector<400xf32>
    %reduce_min3A_96 = vector.multi_reduction <minimumf>, %select_n3A_94, %reduce_min3A_95 [1] : vector<400x4000xf32> to vector<400xf32>
    %broadcast_in_dim3A_97 = vector.shape_cast %reduce_min3A_96 : vector<400xf32> to vector<400x1xf32>
    %eq3A_98 = vector.broadcast %broadcast_in_dim3A_97 : vector<400x1xf32> to vector<400x4000xf32>
    %eq3A_99 = arith.cmpf oeq, %select_n3A_94, %eq3A_98 : vector<400x4000xf32>
    %jit3A_100 = arith.constant 1073741824 : i32
    %broadcast_in_dim3A_101 = vector.broadcast %jit3A_100 : i32 to vector<400x4000xi32>
    %select_n3A_102 = arith.select %eq3A_99, %iota3A, %broadcast_in_dim3A_101 : vector<400x4000xi1>, vector<400x4000xi32>
    %reduce_min3A_103 = arith.constant dense<2147483647> : vector<400xi32>
    %reduce_min3A_104 = vector.multi_reduction <minsi>, %select_n3A_102, %reduce_min3A_103 [1] : vector<400x4000xi32> to vector<400xi32>
    %broadcast_in_dim3A_105 = vector.shape_cast %reduce_min3A_104 : vector<400xi32> to vector<400x1xi32>
    %eq3A_106 = vector.broadcast %broadcast_in_dim3A_105 : vector<400x1xi32> to vector<400x4000xi32>
    %eq3A_107 = arith.cmpi eq, %iota3A, %eq3A_106 : vector<400x4000xi32>
    %jit3A_108 = arith.constant 0.000000e+00 : f32
    %broadcast_in_dim3A_109 = vector.broadcast %jit3A_108 : f32 to vector<400x4000xf32>
    %select_n3A_110 = arith.select %eq3A_107, %add3A_52, %broadcast_in_dim3A_109 : vector<400x4000xi1>, vector<400x4000xf32>
    %reduce_sum3A_111 = arith.constant dense<0.000000e+00> : vector<400xf32>
    %reduce_sum3A_112 = vector.multi_reduction <add>, %select_n3A_110, %reduce_sum3A_111 [1] : vector<400x4000xf32> to vector<400xf32>
    %broadcast_in_dim3A_113 = vector.shape_cast %reduce_sum3A_112 : vector<400xf32> to vector<400x1xf32>
    %sqrt3A_114 = math.sqrt %broadcast_in_dim3A_97 : vector<400x1xf32>
    %neg3A_115 = arith.constant 0.000000e+00 : f32
    %neg3A_116 = vector.broadcast %neg3A_115 : f32 to vector<400x1xf32>
    %neg3A_117 = arith.subf %neg3A_116, %sqrt3A_114 : vector<400x1xf32>
    %exp3A_118 = math.exp %neg3A_117 : vector<400x1xf32>
    %mul3A_119 = arith.mulf %exp3A_118, %broadcast_in_dim3A_113 : vector<400x1xf32>
    %reduce_sum3A_120 = vector.shape_cast %mul3A_119 : vector<400x1xf32> to vector<1x400x1xf32>
    %reduce_sum3A_121 = arith.constant dense<0.000000e+00> : vector<1xf32>
    %reduce_sum3A_122 = vector.multi_reduction <add>, %reduce_sum3A_120, %reduce_sum3A_121 [1, 2] : vector<1x400x1xf32> to vector<1xf32>
    %reduce_sum3A_123 = vector.shape_cast %reduce_sum3A_122 : vector<1xf32> to vector<1x1x1xf32>
    %reduce_sum3A_124 = vector.extract %reduce_sum3A_123[0, 0, 0] : f32 from vector<1x1x1xf32>
    %add3A_125 = arith.addf %add3A_91, %reduce_sum3A_124 : f32
    %jit3A_126 = arith.constant 0x7F800000 : f32
    %broadcast_in_dim3A_127 = vector.broadcast %jit3A_126 : f32 to vector<400x4000xf32>
    %select_n3A_128 = arith.select %eq3A_107, %broadcast_in_dim3A_127, %select_n3A_94 : vector<400x4000xi1>, vector<400x4000xf32>
    %reduce_min3A_129 = arith.constant dense<0x7F800000> : vector<400xf32>
    %reduce_min3A_130 = vector.multi_reduction <minimumf>, %select_n3A_128, %reduce_min3A_129 [1] : vector<400x4000xf32> to vector<400xf32>
    %broadcast_in_dim3A_131 = vector.shape_cast %reduce_min3A_130 : vector<400xf32> to vector<400x1xf32>
    %eq3A_132 = vector.broadcast %broadcast_in_dim3A_131 : vector<400x1xf32> to vector<400x4000xf32>
    %eq3A_133 = arith.cmpf oeq, %select_n3A_128, %eq3A_132 : vector<400x4000xf32>
    %jit3A_134 = arith.constant 1073741824 : i32
    %broadcast_in_dim3A_135 = vector.broadcast %jit3A_134 : i32 to vector<400x4000xi32>
    %select_n3A_136 = arith.select %eq3A_133, %iota3A, %broadcast_in_dim3A_135 : vector<400x4000xi1>, vector<400x4000xi32>
    %reduce_min3A_137 = arith.constant dense<2147483647> : vector<400xi32>
    %reduce_min3A_138 = vector.multi_reduction <minsi>, %select_n3A_136, %reduce_min3A_137 [1] : vector<400x4000xi32> to vector<400xi32>
    %broadcast_in_dim3A_139 = vector.shape_cast %reduce_min3A_138 : vector<400xi32> to vector<400x1xi32>
    %eq3A_140 = vector.broadcast %broadcast_in_dim3A_139 : vector<400x1xi32> to vector<400x4000xi32>
    %eq3A_141 = arith.cmpi eq, %iota3A, %eq3A_140 : vector<400x4000xi32>
    %jit3A_142 = arith.constant 0.000000e+00 : f32
    %broadcast_in_dim3A_143 = vector.broadcast %jit3A_142 : f32 to vector<400x4000xf32>
    %select_n3A_144 = arith.select %eq3A_141, %add3A_52, %broadcast_in_dim3A_143 : vector<400x4000xi1>, vector<400x4000xf32>
    %reduce_sum3A_145 = arith.constant dense<0.000000e+00> : vector<400xf32>
    %reduce_sum3A_146 = vector.multi_reduction <add>, %select_n3A_144, %reduce_sum3A_145 [1] : vector<400x4000xf32> to vector<400xf32>
    %broadcast_in_dim3A_147 = vector.shape_cast %reduce_sum3A_146 : vector<400xf32> to vector<400x1xf32>
    %sqrt3A_148 = math.sqrt %broadcast_in_dim3A_131 : vector<400x1xf32>
    %neg3A_149 = arith.constant 0.000000e+00 : f32
    %neg3A_150 = vector.broadcast %neg3A_149 : f32 to vector<400x1xf32>
    %neg3A_151 = arith.subf %neg3A_150, %sqrt3A_148 : vector<400x1xf32>
    %exp3A_152 = math.exp %neg3A_151 : vector<400x1xf32>
    %mul3A_153 = arith.mulf %exp3A_152, %broadcast_in_dim3A_147 : vector<400x1xf32>
    %reduce_sum3A_154 = vector.shape_cast %mul3A_153 : vector<400x1xf32> to vector<1x400x1xf32>
    %reduce_sum3A_155 = arith.constant dense<0.000000e+00> : vector<1xf32>
    %reduce_sum3A_156 = vector.multi_reduction <add>, %reduce_sum3A_154, %reduce_sum3A_155 [1, 2] : vector<1x400x1xf32> to vector<1xf32>
    %reduce_sum3A_157 = vector.shape_cast %reduce_sum3A_156 : vector<1xf32> to vector<1x1x1xf32>
    %reduce_sum3A_158 = vector.extract %reduce_sum3A_157[0, 0, 0] : f32 from vector<1x1x1xf32>
    %add3A_159 = arith.addf %add3A_125, %reduce_sum3A_158 : f32
    %jit3A_160 = arith.constant 0x7F800000 : f32
    %broadcast_in_dim3A_161 = vector.broadcast %jit3A_160 : f32 to vector<400x4000xf32>
    %select_n3A_162 = arith.select %eq3A_141, %broadcast_in_dim3A_161, %select_n3A_128 : vector<400x4000xi1>, vector<400x4000xf32>
    %reduce_min3A_163 = arith.constant dense<0x7F800000> : vector<400xf32>
    %reduce_min3A_164 = vector.multi_reduction <minimumf>, %select_n3A_162, %reduce_min3A_163 [1] : vector<400x4000xf32> to vector<400xf32>
    %broadcast_in_dim3A_165 = vector.shape_cast %reduce_min3A_164 : vector<400xf32> to vector<400x1xf32>
    %eq3A_166 = vector.broadcast %broadcast_in_dim3A_165 : vector<400x1xf32> to vector<400x4000xf32>
    %eq3A_167 = arith.cmpf oeq, %select_n3A_162, %eq3A_166 : vector<400x4000xf32>
    %jit3A_168 = arith.constant 1073741824 : i32
    %broadcast_in_dim3A_169 = vector.broadcast %jit3A_168 : i32 to vector<400x4000xi32>
    %select_n3A_170 = arith.select %eq3A_167, %iota3A, %broadcast_in_dim3A_169 : vector<400x4000xi1>, vector<400x4000xi32>
    %reduce_min3A_171 = arith.constant dense<2147483647> : vector<400xi32>
    %reduce_min3A_172 = vector.multi_reduction <minsi>, %select_n3A_170, %reduce_min3A_171 [1] : vector<400x4000xi32> to vector<400xi32>
    %broadcast_in_dim3A_173 = vector.shape_cast %reduce_min3A_172 : vector<400xi32> to vector<400x1xi32>
    %eq3A_174 = vector.broadcast %broadcast_in_dim3A_173 : vector<400x1xi32> to vector<400x4000xi32>
    %eq3A_175 = arith.cmpi eq, %iota3A, %eq3A_174 : vector<400x4000xi32>
    %jit3A_176 = arith.constant 0.000000e+00 : f32
    %broadcast_in_dim3A_177 = vector.broadcast %jit3A_176 : f32 to vector<400x4000xf32>
    %select_n3A_178 = arith.select %eq3A_175, %add3A_52, %broadcast_in_dim3A_177 : vector<400x4000xi1>, vector<400x4000xf32>
    %reduce_sum3A_179 = arith.constant dense<0.000000e+00> : vector<400xf32>
    %reduce_sum3A_180 = vector.multi_reduction <add>, %select_n3A_178, %reduce_sum3A_179 [1] : vector<400x4000xf32> to vector<400xf32>
    %broadcast_in_dim3A_181 = vector.shape_cast %reduce_sum3A_180 : vector<400xf32> to vector<400x1xf32>
    %sqrt3A_182 = math.sqrt %broadcast_in_dim3A_165 : vector<400x1xf32>
    %neg3A_183 = arith.constant 0.000000e+00 : f32
    %neg3A_184 = vector.broadcast %neg3A_183 : f32 to vector<400x1xf32>
    %neg3A_185 = arith.subf %neg3A_184, %sqrt3A_182 : vector<400x1xf32>
    %exp3A_186 = math.exp %neg3A_185 : vector<400x1xf32>
    %mul3A_187 = arith.mulf %exp3A_186, %broadcast_in_dim3A_181 : vector<400x1xf32>
    %reduce_sum3A_188 = vector.shape_cast %mul3A_187 : vector<400x1xf32> to vector<1x400x1xf32>
    %reduce_sum3A_189 = arith.constant dense<0.000000e+00> : vector<1xf32>
    %reduce_sum3A_190 = vector.multi_reduction <add>, %reduce_sum3A_188, %reduce_sum3A_189 [1, 2] : vector<1x400x1xf32> to vector<1xf32>
    %reduce_sum3A_191 = vector.shape_cast %reduce_sum3A_190 : vector<1xf32> to vector<1x1x1xf32>
    %reduce_sum3A_192 = vector.extract %reduce_sum3A_191[0, 0, 0] : f32 from vector<1x1x1xf32>
    %add3A_193 = arith.addf %add3A_159, %reduce_sum3A_192 : f32
    %jit3A_194 = arith.constant 0x7F800000 : f32
    %broadcast_in_dim3A_195 = vector.broadcast %jit3A_194 : f32 to vector<400x4000xf32>
    %select_n3A_196 = arith.select %eq3A_175, %broadcast_in_dim3A_195, %select_n3A_162 : vector<400x4000xi1>, vector<400x4000xf32>
    %reduce_min3A_197 = arith.constant dense<0x7F800000> : vector<400xf32>
    %reduce_min3A_198 = vector.multi_reduction <minimumf>, %select_n3A_196, %reduce_min3A_197 [1] : vector<400x4000xf32> to vector<400xf32>
    %broadcast_in_dim3A_199 = vector.shape_cast %reduce_min3A_198 : vector<400xf32> to vector<400x1xf32>
    %eq3A_200 = vector.broadcast %broadcast_in_dim3A_199 : vector<400x1xf32> to vector<400x4000xf32>
    %eq3A_201 = arith.cmpf oeq, %select_n3A_196, %eq3A_200 : vector<400x4000xf32>
    %jit3A_202 = arith.constant 1073741824 : i32
    %broadcast_in_dim3A_203 = vector.broadcast %jit3A_202 : i32 to vector<400x4000xi32>
    %select_n3A_204 = arith.select %eq3A_201, %iota3A, %broadcast_in_dim3A_203 : vector<400x4000xi1>, vector<400x4000xi32>
    %reduce_min3A_205 = arith.constant dense<2147483647> : vector<400xi32>
    %reduce_min3A_206 = vector.multi_reduction <minsi>, %select_n3A_204, %reduce_min3A_205 [1] : vector<400x4000xi32> to vector<400xi32>
    %broadcast_in_dim3A_207 = vector.shape_cast %reduce_min3A_206 : vector<400xi32> to vector<400x1xi32>
    %eq3A_208 = vector.broadcast %broadcast_in_dim3A_207 : vector<400x1xi32> to vector<400x4000xi32>
    %eq3A_209 = arith.cmpi eq, %iota3A, %eq3A_208 : vector<400x4000xi32>
    %jit3A_210 = arith.constant 0.000000e+00 : f32
    %broadcast_in_dim3A_211 = vector.broadcast %jit3A_210 : f32 to vector<400x4000xf32>
    %select_n3A_212 = arith.select %eq3A_209, %add3A_52, %broadcast_in_dim3A_211 : vector<400x4000xi1>, vector<400x4000xf32>
    %reduce_sum3A_213 = arith.constant dense<0.000000e+00> : vector<400xf32>
    %reduce_sum3A_214 = vector.multi_reduction <add>, %select_n3A_212, %reduce_sum3A_213 [1] : vector<400x4000xf32> to vector<400xf32>
    %broadcast_in_dim3A_215 = vector.shape_cast %reduce_sum3A_214 : vector<400xf32> to vector<400x1xf32>
    %sqrt3A_216 = math.sqrt %broadcast_in_dim3A_199 : vector<400x1xf32>
    %neg3A_217 = arith.constant 0.000000e+00 : f32
    %neg3A_218 = vector.broadcast %neg3A_217 : f32 to vector<400x1xf32>
    %neg3A_219 = arith.subf %neg3A_218, %sqrt3A_216 : vector<400x1xf32>
    %exp3A_220 = math.exp %neg3A_219 : vector<400x1xf32>
    %mul3A_221 = arith.mulf %exp3A_220, %broadcast_in_dim3A_215 : vector<400x1xf32>
    %reduce_sum3A_222 = vector.shape_cast %mul3A_221 : vector<400x1xf32> to vector<1x400x1xf32>
    %reduce_sum3A_223 = arith.constant dense<0.000000e+00> : vector<1xf32>
    %reduce_sum3A_224 = vector.multi_reduction <add>, %reduce_sum3A_222, %reduce_sum3A_223 [1, 2] : vector<1x400x1xf32> to vector<1xf32>
    %reduce_sum3A_225 = vector.shape_cast %reduce_sum3A_224 : vector<1xf32> to vector<1x1x1xf32>
    %reduce_sum3A_226 = vector.extract %reduce_sum3A_225[0, 0, 0] : f32 from vector<1x1x1xf32>
    %add3A_227 = arith.addf %add3A_193, %reduce_sum3A_226 : f32
    %jit3A_228 = arith.constant 0x7F800000 : f32
    %broadcast_in_dim3A_229 = vector.broadcast %jit3A_228 : f32 to vector<400x4000xf32>
    %select_n3A_230 = arith.select %eq3A_209, %broadcast_in_dim3A_229, %select_n3A_196 : vector<400x4000xi1>, vector<400x4000xf32>
    %reduce_min3A_231 = arith.constant dense<0x7F800000> : vector<400xf32>
    %reduce_min3A_232 = vector.multi_reduction <minimumf>, %select_n3A_230, %reduce_min3A_231 [1] : vector<400x4000xf32> to vector<400xf32>
    %broadcast_in_dim3A_233 = vector.shape_cast %reduce_min3A_232 : vector<400xf32> to vector<400x1xf32>
    %eq3A_234 = vector.broadcast %broadcast_in_dim3A_233 : vector<400x1xf32> to vector<400x4000xf32>
    %eq3A_235 = arith.cmpf oeq, %select_n3A_230, %eq3A_234 : vector<400x4000xf32>
    %jit3A_236 = arith.constant 1073741824 : i32
    %broadcast_in_dim3A_237 = vector.broadcast %jit3A_236 : i32 to vector<400x4000xi32>
    %select_n3A_238 = arith.select %eq3A_235, %iota3A, %broadcast_in_dim3A_237 : vector<400x4000xi1>, vector<400x4000xi32>
    %reduce_min3A_239 = arith.constant dense<2147483647> : vector<400xi32>
    %reduce_min3A_240 = vector.multi_reduction <minsi>, %select_n3A_238, %reduce_min3A_239 [1] : vector<400x4000xi32> to vector<400xi32>
    %broadcast_in_dim3A_241 = vector.shape_cast %reduce_min3A_240 : vector<400xi32> to vector<400x1xi32>
    %eq3A_242 = vector.broadcast %broadcast_in_dim3A_241 : vector<400x1xi32> to vector<400x4000xi32>
    %eq3A_243 = arith.cmpi eq, %iota3A, %eq3A_242 : vector<400x4000xi32>
    %jit3A_244 = arith.constant 0.000000e+00 : f32
    %broadcast_in_dim3A_245 = vector.broadcast %jit3A_244 : f32 to vector<400x4000xf32>
    %select_n3A_246 = arith.select %eq3A_243, %add3A_52, %broadcast_in_dim3A_245 : vector<400x4000xi1>, vector<400x4000xf32>
    %reduce_sum3A_247 = arith.constant dense<0.000000e+00> : vector<400xf32>
    %reduce_sum3A_248 = vector.multi_reduction <add>, %select_n3A_246, %reduce_sum3A_247 [1] : vector<400x4000xf32> to vector<400xf32>
    %broadcast_in_dim3A_249 = vector.shape_cast %reduce_sum3A_248 : vector<400xf32> to vector<400x1xf32>
    %sqrt3A_250 = math.sqrt %broadcast_in_dim3A_233 : vector<400x1xf32>
    %neg3A_251 = arith.constant 0.000000e+00 : f32
    %neg3A_252 = vector.broadcast %neg3A_251 : f32 to vector<400x1xf32>
    %neg3A_253 = arith.subf %neg3A_252, %sqrt3A_250 : vector<400x1xf32>
    %exp3A_254 = math.exp %neg3A_253 : vector<400x1xf32>
    %mul3A_255 = arith.mulf %exp3A_254, %broadcast_in_dim3A_249 : vector<400x1xf32>
    %reduce_sum3A_256 = vector.shape_cast %mul3A_255 : vector<400x1xf32> to vector<1x400x1xf32>
    %reduce_sum3A_257 = arith.constant dense<0.000000e+00> : vector<1xf32>
    %reduce_sum3A_258 = vector.multi_reduction <add>, %reduce_sum3A_256, %reduce_sum3A_257 [1, 2] : vector<1x400x1xf32> to vector<1xf32>
    %reduce_sum3A_259 = vector.shape_cast %reduce_sum3A_258 : vector<1xf32> to vector<1x1x1xf32>
    %reduce_sum3A_260 = vector.extract %reduce_sum3A_259[0, 0, 0] : f32 from vector<1x1x1xf32>
    %add3A_261 = arith.addf %add3A_227, %reduce_sum3A_260 : f32
    %jit3A_262 = arith.constant 0x7F800000 : f32
    %broadcast_in_dim3A_263 = vector.broadcast %jit3A_262 : f32 to vector<400x4000xf32>
    %select_n3A_264 = arith.select %eq3A_243, %broadcast_in_dim3A_263, %select_n3A_230 : vector<400x4000xi1>, vector<400x4000xf32>
    %reduce_min3A_265 = arith.constant dense<0x7F800000> : vector<400xf32>
    %reduce_min3A_266 = vector.multi_reduction <minimumf>, %select_n3A_264, %reduce_min3A_265 [1] : vector<400x4000xf32> to vector<400xf32>
    %broadcast_in_dim3A_267 = vector.shape_cast %reduce_min3A_266 : vector<400xf32> to vector<400x1xf32>
    %eq3A_268 = vector.broadcast %broadcast_in_dim3A_267 : vector<400x1xf32> to vector<400x4000xf32>
    %eq3A_269 = arith.cmpf oeq, %select_n3A_264, %eq3A_268 : vector<400x4000xf32>
    %jit3A_270 = arith.constant 1073741824 : i32
    %broadcast_in_dim3A_271 = vector.broadcast %jit3A_270 : i32 to vector<400x4000xi32>
    %select_n3A_272 = arith.select %eq3A_269, %iota3A, %broadcast_in_dim3A_271 : vector<400x4000xi1>, vector<400x4000xi32>
    %reduce_min3A_273 = arith.constant dense<2147483647> : vector<400xi32>
    %reduce_min3A_274 = vector.multi_reduction <minsi>, %select_n3A_272, %reduce_min3A_273 [1] : vector<400x4000xi32> to vector<400xi32>
    %broadcast_in_dim3A_275 = vector.shape_cast %reduce_min3A_274 : vector<400xi32> to vector<400x1xi32>
    %eq3A_276 = vector.broadcast %broadcast_in_dim3A_275 : vector<400x1xi32> to vector<400x4000xi32>
    %eq3A_277 = arith.cmpi eq, %iota3A, %eq3A_276 : vector<400x4000xi32>
    %jit3A_278 = arith.constant 0.000000e+00 : f32
    %broadcast_in_dim3A_279 = vector.broadcast %jit3A_278 : f32 to vector<400x4000xf32>
    %select_n3A_280 = arith.select %eq3A_277, %add3A_52, %broadcast_in_dim3A_279 : vector<400x4000xi1>, vector<400x4000xf32>
    %reduce_sum3A_281 = arith.constant dense<0.000000e+00> : vector<400xf32>
    %reduce_sum3A_282 = vector.multi_reduction <add>, %select_n3A_280, %reduce_sum3A_281 [1] : vector<400x4000xf32> to vector<400xf32>
    %broadcast_in_dim3A_283 = vector.shape_cast %reduce_sum3A_282 : vector<400xf32> to vector<400x1xf32>
    %sqrt3A_284 = math.sqrt %broadcast_in_dim3A_267 : vector<400x1xf32>
    %neg3A_285 = arith.constant 0.000000e+00 : f32
    %neg3A_286 = vector.broadcast %neg3A_285 : f32 to vector<400x1xf32>
    %neg3A_287 = arith.subf %neg3A_286, %sqrt3A_284 : vector<400x1xf32>
    %exp3A_288 = math.exp %neg3A_287 : vector<400x1xf32>
    %mul3A_289 = arith.mulf %exp3A_288, %broadcast_in_dim3A_283 : vector<400x1xf32>
    %reduce_sum3A_290 = vector.shape_cast %mul3A_289 : vector<400x1xf32> to vector<1x400x1xf32>
    %reduce_sum3A_291 = arith.constant dense<0.000000e+00> : vector<1xf32>
    %reduce_sum3A_292 = vector.multi_reduction <add>, %reduce_sum3A_290, %reduce_sum3A_291 [1, 2] : vector<1x400x1xf32> to vector<1xf32>
    %reduce_sum3A_293 = vector.shape_cast %reduce_sum3A_292 : vector<1xf32> to vector<1x1x1xf32>
    %reduce_sum3A_294 = vector.extract %reduce_sum3A_293[0, 0, 0] : f32 from vector<1x1x1xf32>
    %add3A_295 = arith.addf %add3A_261, %reduce_sum3A_294 : f32
    %jit3A_296 = arith.constant 0x7F800000 : f32
    %broadcast_in_dim3A_297 = vector.broadcast %jit3A_296 : f32 to vector<400x4000xf32>
    %select_n3A_298 = arith.select %eq3A_277, %broadcast_in_dim3A_297, %select_n3A_264 : vector<400x4000xi1>, vector<400x4000xf32>
    %reduce_min3A_299 = arith.constant dense<0x7F800000> : vector<400xf32>
    %reduce_min3A_300 = vector.multi_reduction <minimumf>, %select_n3A_298, %reduce_min3A_299 [1] : vector<400x4000xf32> to vector<400xf32>
    %broadcast_in_dim3A_301 = vector.shape_cast %reduce_min3A_300 : vector<400xf32> to vector<400x1xf32>
    %eq3A_302 = vector.broadcast %broadcast_in_dim3A_301 : vector<400x1xf32> to vector<400x4000xf32>
    %eq3A_303 = arith.cmpf oeq, %select_n3A_298, %eq3A_302 : vector<400x4000xf32>
    %jit3A_304 = arith.constant 1073741824 : i32
    %broadcast_in_dim3A_305 = vector.broadcast %jit3A_304 : i32 to vector<400x4000xi32>
    %select_n3A_306 = arith.select %eq3A_303, %iota3A, %broadcast_in_dim3A_305 : vector<400x4000xi1>, vector<400x4000xi32>
    %reduce_min3A_307 = arith.constant dense<2147483647> : vector<400xi32>
    %reduce_min3A_308 = vector.multi_reduction <minsi>, %select_n3A_306, %reduce_min3A_307 [1] : vector<400x4000xi32> to vector<400xi32>
    %broadcast_in_dim3A_309 = vector.shape_cast %reduce_min3A_308 : vector<400xi32> to vector<400x1xi32>
    %eq3A_310 = vector.broadcast %broadcast_in_dim3A_309 : vector<400x1xi32> to vector<400x4000xi32>
    %eq3A_311 = arith.cmpi eq, %iota3A, %eq3A_310 : vector<400x4000xi32>
    %jit3A_312 = arith.constant 0.000000e+00 : f32
    %broadcast_in_dim3A_313 = vector.broadcast %jit3A_312 : f32 to vector<400x4000xf32>
    %select_n3A_314 = arith.select %eq3A_311, %add3A_52, %broadcast_in_dim3A_313 : vector<400x4000xi1>, vector<400x4000xf32>
    %reduce_sum3A_315 = arith.constant dense<0.000000e+00> : vector<400xf32>
    %reduce_sum3A_316 = vector.multi_reduction <add>, %select_n3A_314, %reduce_sum3A_315 [1] : vector<400x4000xf32> to vector<400xf32>
    %broadcast_in_dim3A_317 = vector.shape_cast %reduce_sum3A_316 : vector<400xf32> to vector<400x1xf32>
    %sqrt3A_318 = math.sqrt %broadcast_in_dim3A_301 : vector<400x1xf32>
    %neg3A_319 = arith.constant 0.000000e+00 : f32
    %neg3A_320 = vector.broadcast %neg3A_319 : f32 to vector<400x1xf32>
    %neg3A_321 = arith.subf %neg3A_320, %sqrt3A_318 : vector<400x1xf32>
    %exp3A_322 = math.exp %neg3A_321 : vector<400x1xf32>
    %mul3A_323 = arith.mulf %exp3A_322, %broadcast_in_dim3A_317 : vector<400x1xf32>
    %reduce_sum3A_324 = vector.shape_cast %mul3A_323 : vector<400x1xf32> to vector<1x400x1xf32>
    %reduce_sum3A_325 = arith.constant dense<0.000000e+00> : vector<1xf32>
    %reduce_sum3A_326 = vector.multi_reduction <add>, %reduce_sum3A_324, %reduce_sum3A_325 [1, 2] : vector<1x400x1xf32> to vector<1xf32>
    %reduce_sum3A_327 = vector.shape_cast %reduce_sum3A_326 : vector<1xf32> to vector<1x1x1xf32>
    %reduce_sum3A_328 = vector.extract %reduce_sum3A_327[0, 0, 0] : f32 from vector<1x1x1xf32>
    %add3A_329 = arith.addf %add3A_295, %reduce_sum3A_328 : f32
    %eq3A_330 = arith.constant 0 : i32
    %eq3A_331 = arith.cmpi eq, %arg0, %eq3A_330 : i32
    %convert_element_type3A = arith.extui %eq3A_331 : i1 to i32
    %cond3A = arith.constant 0 : i32
    %cond3A_332 = arith.cmpi ne, %convert_element_type3A, %cond3A : i32
    scf.if %cond3A_332 {
      %swap3A = arith.constant 0 : index
      %swap3A_337 = arith.constant 0 : index
      %swap3A_338 = memref.load %arg5[%swap3A, %swap3A_337] : memref<1x1xf32, #tpu.memory_space<smem>>
      memref.store %add3A_329, %arg5[%swap3A, %swap3A_337] : memref<1x1xf32, #tpu.memory_space<smem>>
    } else {
    }
    %gt3A = arith.constant 0 : i32
    %gt3A_333 = arith.cmpi sgt, %arg0, %gt3A : i32
    %convert_element_type3A_334 = arith.extui %gt3A_333 : i1 to i32
    %cond3A_335 = arith.constant 0 : i32
    %cond3A_336 = arith.cmpi ne, %convert_element_type3A_334, %cond3A_335 : i32
    scf.if %cond3A_336 {
      %get3A_337 = arith.constant 0 : index
      %get3A_338 = arith.constant 0 : index
      %get3A_339 = memref.load %arg5[%get3A_337, %get3A_338] : memref<1x1xf32, #tpu.memory_space<smem>>
      %add3A_340 = arith.addf %get3A_339, %add3A_329 : f32
      %swap3A = arith.constant 0 : index
      %swap3A_341 = arith.constant 0 : index
      %swap3A_342 = memref.load %arg5[%swap3A, %swap3A_341] : memref<1x1xf32, #tpu.memory_space<smem>>
      memref.store %add3A_340, %arg5[%swap3A, %swap3A_341] : memref<1x1xf32, #tpu.memory_space<smem>>
    } else {
    }
    return
  }
  func.func @transform_0(%arg0: i32) -> (i32, i32) {
    %c0_i32 = arith.constant 0 : i32
    %c0_i32_0 = arith.constant 0 : i32
    return %arg0, %c0_i32 : i32, i32
  }
  func.func @transform_1(%arg0: i32) -> (i32, i32) {
    %c0_i32 = arith.constant 0 : i32
    %c0_i32_0 = arith.constant 0 : i32
    return %arg0, %c0_i32 : i32, i32
  }
  func.func @transform_2(%arg0: i32) -> (i32, i32) {
    %c0_i32 = arith.constant 0 : i32
    %c0_i32_0 = arith.constant 0 : i32
    %c0_i32_1 = arith.constant 0 : i32
    return %c0_i32, %c0_i32_0 : i32, i32
  }
  func.func @transform_3(%arg0: i32) -> (i32, i32) {
    %c0_i32 = arith.constant 0 : i32
    %c0_i32_0 = arith.constant 0 : i32
    %c0_i32_1 = arith.constant 0 : i32
    return %c0_i32, %c0_i32_0 : i32, i32
  }
  func.func @transform_4(%arg0: i32) -> (i32, i32) {
    %c0_i32 = arith.constant 0 : i32
    %c0_i32_0 = arith.constant 0 : i32
    %c0_i32_1 = arith.constant 0 : i32
    return %c0_i32, %c0_i32_0 : i32, i32
  }
}

</mosaic_0001>

<sc_bundles>
// kernel: kernel.4.cloned.1.call-start
scs
__scs_entry_jumppad:
0x0: {  	(pc) =	sbr.rel $0x88, $3  }
0x1: {  	(tag) =	ssettag $0x0;
	lr =	simm.s32 $0x1  }
0x2: {  	[smem:$0x3F9F] =	sst lr;
	_ =	strace $0xD0000000  }
0x3: {  	_ = 	snop  }
0x4: {  	_ = 	snop  }
0x5: {  	_ = 	snop  }
0x6: {  	_ = 	snop  }
0x7: {  	_ = 	snop  }
__scs_overlays_trampoline_lowered:
0x8: {  	[smem:$0x3FAE] =	sst s0  }
0x9: {  	[smem:$0x3FAF] =	sst s1  }
0xa: {  	[smem:$0x3FB0] =	sst s2  }
0xb: {  	[smem:$0x3FB1] =	sst s3  }
0xc: {  	[smem:$0x3FB2] =	sst s4  }
0xd: {  	[smem:$0x3FB3] =	sst s5  }
0xe: {  	[smem:$0x3FB4] =	sst s6  }
0xf: {  	[smem:$0x3FB5] =	sst s7  }
0x10: {  	[smem:$0x3FB6] =	sst s8  }
0x11: {  	[smem:$0x3FB7] =	sst s9;
	s0 =	simm.s32 @!p0 $0x0  }
0x12: {  	s1 =	sld [smem:$0x3F9D];
	s0 =	simm.s32 @p0 $0x1  }
0x13: {  	[smem:$0x3FB8] =	sst s0;
	s0 =	simm.s32 @!p1 $0x0  }
0x14: {  	s2 =	sld [smem:$0x3F9C];
	s0 =	simm.s32 @p1 $0x1  }
0x15: {  	[smem:$0x3FB9] =	sst s0;
	s0 =	simm.s32 @!p2 $0x0  }
0x16: {  	s3 =	sld [smem:$0x3FDB];
	s0 =	simm.s32 @p2 $0x1  }
0x17: {  	s4 =	simm.s32 $0x1BF5;
	[smem:$0x3FBB] =	sst s0  }
0x18: {  	s0 =	sld [smem:$0x3F9E];
	_ =	swait.ge [sflag:s4], $0x0  }
0x19: {  	s7 =	sld [smem:$0x3F9F]  }
0x1a: {  	s8 =	sadd.s32 $0xFFFFE003, lr  }
0x1b: {  	s9 =	sadd.s32 $0xFFFFFEF7, lr;
	s5 =	simm.s32 $0xFFFFFFFF;
	p2 =	slt.u32 s8, $0xFFFFF086  }
0x1c: {  	p1 =	slt.u32 s9, $0xF7A;
	s5 =	simm.s32 @!p2 $0x0  }
0x1d: {  	s5 =	simm.s32 @p1 $0x1;
	p0 =	seq.s32 s7, s2  }
0x1e: {  	s7 =	smul.u32 @!p0 $0xF7A, s2;
	p2 =	seq.s32 @!p0 s5, $0x0  }
0x1f: {  	s9 =	smul.u32 $0xF7A, s1;
	s8 =	simm.s32 @!p0 $0x1BF5;
	p2 =	por !p2, p0  }
0x20: {  	[sflag:s8] =	ssyncset.s32 @!p0 $0xFFFFF086;
	s6 =	sadd.s32 @!p0 s3, s7;
	s7 =	simm.s32 @!p0 $0x108  }
0x21: {  	s3 =	sadd.s32 s3, s9;
	s6 =	sadd.s32 @!p0 $0x88, s6;
	s7 =	simm.s32 @p2 $0x1082  }
0x22: {  	[simem:s7], [sflag:s8] =	dma.local @!p0 [hbm:s6], $0xF7A  }
0x23: {  	s9 =	sor.u32 $0xD0000000, s2;
	s6 =	simm.s32 $0x108;
	_ =	swait.ge @!p0 [sflag:s8], $0x0  }
0x24: {  	s3 =	sadd.s32 $0x88, s3;
	s6 =	simm.s32 @!p1 $0x1082;
	[sflag:s4] =	ssyncset.s32 $0xFFFFF086  }
0x25: {  	[simem:s6], [sflag:s4] =	dma.local [hbm:s3], $0xF7A  }
0x26: {  	[smem:$0x3F9F] =	sst s1;
	(tag) =	ssettag s2;
	_ =	strace s9  }
0x27: {  	s1 =	sld [smem:$0x3FAF]  }
0x28: {  	s2 =	sld [smem:$0x3FB0]  }
0x29: {  	s4 =	sld [smem:$0x3FB2]  }
0x2a: {  	p0 =	seq.s32 s5, $0x0;
	s5 =	sld [smem:$0x3FB3]  }
0x2b: {  	s6 =	sld [smem:$0x3FB4]  }
0x2c: {  	s7 =	sld [smem:$0x3FB5]  }
0x2d: {  	s3 =	simm.s32 $0x108;
	s8 =	sld [smem:$0x3FB6]  }
0x2e: {  	s3 =	simm.s32 @!p0 $0x1082;
	s9 =	sld [smem:$0x3FB7]  }
0x2f: {  	lr =	sadd.s32 s0, s3;
	s0 =	sld [smem:$0x3FAE]  }
0x30: {  	s3 =	sld [smem:$0x3FB1]  }
0x31: {  	[smem:$0x3FBA] =	sst s10  }
0x32: {  	s10 =	sld [smem:$0x3FB8];
	_ =	sdelay $0x3  }
0x33: {  	p0 =	seq.s32 s10, $0x1;
	s10 =	sld [smem:$0x3FBA];
	_ =	sdelay $0x3  }
0x34: {  	[smem:$0x3FBA] =	sst s10  }
0x35: {  	s10 =	sld [smem:$0x3FB9];
	_ =	sdelay $0x3  }
0x36: {  	p1 =	seq.s32 s10, $0x1;
	s10 =	sld [smem:$0x3FBA];
	_ =	sdelay $0x3  }
0x37: {  	[smem:$0x3FBA] =	sst s10  }
0x38: {  	s10 =	sld [smem:$0x3FBB]  }
0x39: {  	_ = 	snop;
	(pc) =	sbr.ind lr, $3  }
0x3a: {  	_ = 	snop  }
0x3b: {  	_ = 	snop  }
0x3c: {  	p2 =	seq.s32 s10, $0x1;
	s10 =	sld [smem:$0x3FBA]  }
0x3d: {  	_ =	shalt  }
0x3e: {  	_ =	shalt  }
0x3f: {  	_ =	shalt  }
0x40: {  	_ =	shalt  }
0x41: {  	_ =	shalt  }
0x42: {  	_ =	shalt  }
0x43: {  	_ =	shalt  }
0x44: {  	_ =	shalt  }
0x45: {  	_ =	shalt  }
0x46: {  	_ =	shalt  }
0x47: {  	_ =	shalt  }
0x48: {  	_ =	shalt  }
0x49: {  	_ =	shalt  }
0x4a: {  	_ =	shalt  }
0x4b: {  	_ =	shalt  }
0x4c: {  	_ =	shalt  }
0x4d: {  	_ =	shalt  }
0x4e: {  	_ =	shalt  }
0x4f: {  	_ =	shalt  }
0x50: {  	_ =	shalt  }
0x51: {  	_ =	shalt  }
0x52: {  	_ =	shalt  }
0x53: {  	_ =	shalt  }
0x54: {  	_ =	shalt  }
0x55: {  	_ =	shalt  }
0x56: {  	_ =	shalt  }
0x57: {  	_ =	shalt  }
0x58: {  	_ =	shalt  }
0x59: {  	_ =	shalt  }
0x5a: {  	_ =	shalt  }
0x5b: {  	_ =	shalt  }
0x5c: {  	_ =	shalt  }
0x5d: {  	_ =	shalt  }
0x5e: {  	_ =	shalt  }
0x5f: {  	_ =	shalt  }
0x60: {  	_ =	shalt  }
0x61: {  	_ =	shalt  }
0x62: {  	_ =	shalt  }
0x63: {  	_ =	shalt  }
0x64: {  	_ =	shalt  }
0x65: {  	_ =	shalt  }
0x66: {  	_ =	shalt  }
0x67: {  	_ =	shalt  }
0x68: {  	_ =	shalt  }
0x69: {  	_ =	shalt  }
0x6a: {  	_ =	shalt  }
0x6b: {  	_ =	shalt  }
0x6c: {  	_ =	shalt  }
0x6d: {  	_ =	shalt  }
0x6e: {  	_ =	shalt  }
0x6f: {  	_ =	shalt  }
0x70: {  	_ =	shalt  }
0x71: {  	_ =	shalt  }
0x72: {  	_ =	shalt  }
0x73: {  	_ =	shalt  }
0x74: {  	_ =	shalt  }
0x75: {  	_ =	shalt  }
0x76: {  	_ =	shalt  }
0x77: {  	_ =	shalt  }
0x78: {  	_ =	shalt  }
0x79: {  	_ =	shalt  }
0x7a: {  	_ =	shalt  }
0x7b: {  	_ =	shalt  }
0x7c: {  	_ =	shalt  }
0x7d: {  	_ =	shalt  }
0x7e: {  	_ =	shalt  }
0x7f: {  	_ =	shalt  }
0x80: {  	_ =	shalt  }
0x81: {  	_ =	shalt  }
0x82: {  	_ =	shalt  }
0x83: {  	_ =	shalt  }
0x84: {  	_ =	shalt  }
0x85: {  	_ =	shalt  }
0x86: {  	_ =	shalt  }
0x87: {  	_ =	shalt  }
.Lfunc_end0:
.L_simem_size_0:
called_computation_lowered:
.L_overlay_start_0:
0x88: {  	s2 =	sld [smem:$0x3FD9]  }
0x89: {  	s3 =	sld [smem:$0x3FFE];
	_ =	sdelay $0x1  }
0x8a: {  	s1 =	srdreg.scid  }
0x8b: {  	s0 =	sand.u32 $0x1, s1  }
0x8c: {  	s16 =	sshll.u32 s0, $0xA;
	s2 =	sadd.s32 s3, s2  }
0x8d: {  	s2 =	sadd.s32 s2, s16  }
0x8e: {  	[smem:$0x3FC6] =	sst s2  }
0x8f: {  	_ = 	snop  }
0x90: {  	(tm) =	ssettm $0x1  }
0x91: {  	s17 =	sld [smem:$0x3FFB];
	_ =	sdelay $0x3  }
0x92: {  	_ =	strace s17  }
0x93: {  	s2 =	sld [smem:$0x3FFC];
	_ =	sdelay $0x3  }
0x94: {  	_ =	strace s2  }
0x95: {  	s2 =	sld [smem:$0x3FFD];
	_ =	sdelay $0x3  }
0x96: {  	_ =	strace s2  }
0x97: {  	_ =	strace $0x8FFFFFFF  }
0x98: {  	s18 =	sld [smem:$0x3FDB];
	_ =	sdelay $0x1  }
0x99: {  	s19 =	simm.s32 $_scs_section_size  }
0x9a: {  	s4 =	simm.s32 $_size__tile_overlayer_lowered;
	s5 =	simm.s32 $_tile_overlayer_lowered  }
0x9b: {  	s22 =	simm.s32 $0x1BFF;
	s21 =	sshll.u32 s5, $0x1;
	s2 =	sadd.s32 s19, s18  }
0x9c: {  	s6 =	simm.s32 $0x0;
	s20 =	sshll.u32 s4, $0x1;
	s4 =	sadd.s32 s21, s2  }
0x9d: {  	[timem:s6], [sflag:s22] =	dma.local [hbm:s4], s20  }
0x9e: {  	_ =	swait.ge [sflag:s22], s20  }
0x9f: {  	s3 =	ssub.s32 $0x0, s20;
	[sflag:s22] =	ssyncset.done $0x0  }
0xa0: {  	[sflag:s22] =	ssyncadd.s32 s3;
	_ =	sdelay $0x1  }
0xa1: {  	s23 =	simm.s32 $0x1B8B  }
0xa2: {  	_ =	swait.ge [sflag:s23], $0x1  }
0xa3: {  	[sflag:s23] =	ssyncset.done $0x0  }
0xa4: {  	s25 =	simm.s32 $0x1B8E;
	s24 =	sld [smem:$0x3FFE];
	[sflag:s23] =	ssyncadd.s32 $0xFFFFFFFF  }
0xa5: {  	s26 =	simm.s32 $execute0_lowered;
	[smem:$0x3FD2] =	sst s25  }
0xa6: {  	s4 =	sshll.u32 s26, $0x1;
	_ =	strace $0x80000046;
	[dreg:$0x1] =	wrdreg $0xFFFFFFFF  }
0xa7: {  	s28 =	simm.s32 $_size_execute0_lowered;
	s2 =	sadd.s32 s2, s4;
	[dreg:$0x0] =	wrdreg $0x0  }
0xa8: {  	s4 =	sshll.u32 s28, $0x1;
	[dreg:$0x2] =	wrdreg s2  }
0xa9: {  	[dreg:$0x3] =	wrdreg s4  }
0xaa: {  	[dreg:$0x4] =	wrdreg $0xC0  }
0xab: {  	_ =	task [dreg:s6], $0x5FFFF  }
0xac: {  	[dreg:$0x1] =	wrdreg $0xFFFFFFFF  }
0xad: {  	[dreg:$0x0] =	wrdreg $0x60  }
0xae: {  	[dreg:$0x2] =	wrdreg s24  }
0xaf: {  	[dreg:$0x3] =	wrdreg $0x9  }
0xb0: {  	_ =	task.clear_ibuf [dreg:s6], $0x4FFFF;
	_ =	strace $0x90000046  }
0xb1: {  	s29 =	simm.s32 $0x9;
	_ =	strace $0x80000048  }
0xb2: {  	_ =	swait.ge [sflag:s29], $0x1  }
0xb3: {  	[sflag:s29] =	ssyncadd.s32 $0xFFFFFFFF  }
0xb4: {  	_ =	strace $0x90000048  }
0xb5: {  	_ =	sfence  }
0xb6: {  	s30 =	sld [smem:$0x0];
	_ =	sdelay $0x2  }
0xb7: {  	s31 =	sshll.u32 s1, $0xD;
	s1 =	sshrl.u32 s1, $0x2  }
0xb8: {  	s3 =	sand.u32 $0x4000, s31;
	s1 =	sadd.s32 s1, s30  }
0xb9: {  	s0 =	sor.u32 s3, s0;
	s1 =	sshll.u32 s1, $0x11  }
0xba: {  	s0 =	sor.u32 s1, s0  }
0xbb: {  	s0 =	sadd.s32 $0x8F2B, s0  }
0xbc: {  	[sflag:s0] =	ssyncadd.remote.s32 $0x1  }
0xbd: {  	_ =	sfence.sel $0xFFFF  }
0xbe: {  	[dreg:$0x0] =	wrdreg $0xFFFFFFFF;
	(pc) =	sbr.abs _section_cstart, $3  }
0xbf: {  	[dreg:$0x1] =	wrdreg $0xFFFFFFFF  }
0xc0: {  	_ =	task.clear_ibuf [dreg:s6], $0x2FFFF;
	_ =	strace $0x9FFFFFFF  }
0xc1: {  	(tm) =	ssettm $0x7FFFFFFF  }
tec
execute0_lowered:
.L_overlay_start_1:
0x0: {  	(tag) =	ssettag $0x1  }
0x1: {  	s1 =	srdreg.scid  }
0x2: {  	s0 =	stileid.u32;
	s28 =	sand.u32 $0x1, s1  }
0x3: {  	s2 =	rddreg [dreg:$0x0];
	s4 =	sshll.u32 s0, $0x5;
	s5 =	sshll.u32 s28, $0x4  }
0x4: {  	s3 =	simm.s32 $0x0;
	s1 =	rddreg [dreg:$0x1];
	s4 =	sor.u32 s5, s4  }
0x5: {  	[smem:$0x7FF] =	sst s3;
	s29 =	sadd.s32 s4, s2  }
0x6: {  	_ =	strace $0x80000047;
	s4 =	simm.s32 $0x7;
	s5 =	sadd.s32 $0x16EC00, s29  }
0x7: {  	[tilespmem:s3], [sflag:$0x7] =	stream.linear.gather [hbm4b:s5+s3], $0x80, $0x38;
	[tilespmem:$0x380] =	vst v63  }
0x8: {  	_ =	swait.ge [sflag:s4], $0x80  }
0x9: {  	[sflag:s4] =	ssyncset.done $0x0  }
0xa: {  	s7 =	simm.s32 $0x80;
	s6 =	sadd.s32 $0xB7600, s2;
	[sflag:s4] =	ssyncadd.s32 $0xFFFFFF80  }
0xb: {  	[tilespmem:s7], [sflag:$0x1] =	stream.indirect.gather [hbm4b:s6+s7], $0x1, s3, s7, $0xb8;
	[tilespmem:$0x380] =	vst v63  }
0xc: {  	s9 =	simm.s32 $0x100;
	s8 =	sadd.s32 $0xF4800, s2  }
0xd: {  	[tilespmem:s9], [sflag:$0x2] =	stream.indirect.gather [hbm4b:s8+s7], $0x1, s3, s7, $0xb8;
	[tilespmem:$0x380] =	vst v63  }
0xe: {  	s10 =	simm.s32 $0x180  }
0xf: {  	[tilespmem:s10], [sflag:$0x3] =	stream.indirect.gather [hbm4b:s2+s7], $0x1, s3, s7, $0xb8;
	[tilespmem:$0x380] =	vst v63  }
0x10: {  	s12 =	simm.s32 $0x200;
	s11 =	sadd.s32 $0x7A400, s2  }
0x11: {  	[tilespmem:s12], [sflag:$0x4] =	stream.indirect.gather [hbm4b:s11+s7], $0x1, s3, s7, $0xb8;
	[tilespmem:$0x380] =	vst v63  }
0x12: {  	s14 =	simm.s32 $0x280;
	s13 =	sadd.s32 $0x131A00, s2  }
0x13: {  	[tilespmem:s14], [sflag:$0x5] =	stream.indirect.gather [hbm4b:s13+s7], $0x1, s3, s7, $0xb8;
	[tilespmem:$0x380] =	vst v63  }
0x14: {  	s16 =	simm.s32 $0x300;
	s17 =	simm.s32 $0x1;
	s15 =	sadd.s32 $0x3D200, s2  }
0x15: {  	[tilespmem:s16], [sflag:$0x6] =	stream.indirect.gather [hbm4b:s15+s7], $0x1, s3, s7, $0xb8;
	[tilespmem:$0x380] =	vst v63  }
0x16: {  	_ =	swait.ge [sflag:s17], $0x80  }
0x17: {  	[sflag:s17] =	ssyncset.done $0x0  }
0x18: {  	s18 =	simm.s32 $0x2;
	[sflag:s17] =	ssyncadd.s32 $0xFFFFFF80  }
0x19: {  	_ =	swait.ge [sflag:s18], $0x80  }
0x1a: {  	[sflag:s18] =	ssyncset.done $0x0  }
0x1b: {  	s19 =	simm.s32 $0x3;
	[sflag:s18] =	ssyncadd.s32 $0xFFFFFF80  }
0x1c: {  	_ =	swait.ge [sflag:s19], $0x80  }
0x1d: {  	[sflag:s19] =	ssyncset.done $0x0  }
0x1e: {  	s20 =	simm.s32 $0x4;
	[sflag:s19] =	ssyncadd.s32 $0xFFFFFF80  }
0x1f: {  	_ =	swait.ge [sflag:s20], $0x80  }
0x20: {  	[sflag:s20] =	ssyncset.done $0x0  }
0x21: {  	s21 =	simm.s32 $0x5;
	[sflag:s20] =	ssyncadd.s32 $0xFFFFFF80  }
0x22: {  	_ =	swait.ge [sflag:s21], $0x80  }
0x23: {  	[sflag:s21] =	ssyncset.done $0x0  }
0x24: {  	s22 =	simm.s32 $0x6;
	[sflag:s21] =	ssyncadd.s32 $0xFFFFFF80  }
0x25: {  	_ =	swait.ge [sflag:s22], $0x80  }
0x26: {  	[sflag:s22] =	ssyncset.done $0x0  }
0x27: {  	s23 =	sadd.s32 $0x16EE00, s29;
	[sflag:s22] =	ssyncadd.s32 $0xFFFFFF80  }
0x28: {  	[hbm4b:s23+s3] =	stream.linear.scatter [tilespmem:s7], [sflag:$0x7], $0x80, $0x38;
	[tilespmem:$0x380] =	vst v63  }
0x29: {  	_ =	swait.ge [sflag:s4], $0x80  }
0x2a: {  	[sflag:s4] =	ssyncset.done $0x0  }
0x2b: {  	s24 =	sadd.s32 $0x16F000, s29;
	[sflag:s4] =	ssyncadd.s32 $0xFFFFFF80  }
0x2c: {  	[hbm4b:s24+s3] =	stream.linear.scatter [tilespmem:s9], [sflag:$0x7], $0x80, $0x38;
	[tilespmem:$0x380] =	vst v63  }
0x2d: {  	_ =	swait.ge [sflag:s4], $0x80  }
0x2e: {  	[sflag:s4] =	ssyncset.done $0x0  }
0x2f: {  	s25 =	sadd.s32 $0x16F200, s29;
	[sflag:s4] =	ssyncadd.s32 $0xFFFFFF80  }
0x30: {  	[hbm4b:s25+s3] =	stream.linear.scatter [tilespmem:s10], [sflag:$0x7], $0x80, $0x38;
	[tilespmem:$0x380] =	vst v63  }
0x31: {  	_ =	swait.ge [sflag:s4], $0x80  }
0x32: {  	[sflag:s4] =	ssyncset.done $0x0  }
0x33: {  	s30 =	ssub.s32 $0x2, s28;
	s26 =	sadd.s32 $0x16F400, s29;
	[sflag:s4] =	ssyncadd.s32 $0xFFFFFF80  }
0x34: {  	[hbm4b:s26+s3] =	stream.linear.scatter [tilespmem:s12], [sflag:$0x7], $0x80, $0x38;
	[tilespmem:$0x380] =	vst v63  }
0x35: {  	s31 =	sshrl.u32 s30, $0x1;
	_ =	swait.ge [sflag:s4], $0x80  }
0x36: {  	s30 =	ssub.s32 s30, s31;
	[sflag:s4] =	ssyncset.done $0x0  }
0x37: {  	s28 =	sadd.s32 $0x16F600, s29;
	s30 =	smax.u32 s30, $0x1;
	[sflag:s4] =	ssyncadd.s32 $0xFFFFFF80  }
0x38: {  	[hbm4b:s28+s3] =	stream.linear.scatter [tilespmem:s14], [sflag:$0x7], $0x80, $0x38;
	[tilespmem:$0x380] =	vst v63  }
0x39: {  	p0 =	sne.s32 s30, $0x1;
	_ =	swait.ge [sflag:s4], $0x80  }
.Ltmp0:
0x3a: {  	[sflag:s4] =	ssyncset.done $0x0;
	(pc) =	sbr.rel @!p0 .LBB2_2-.Ltmp0, $4  }
0x3b: {  	s29 =	sadd.s32 $0x16F800, s29;
	[sflag:s4] =	ssyncadd.s32 $0xFFFFFF80  }
0x3c: {  	[hbm4b:s29+s3] =	stream.linear.scatter [tilespmem:s16], [sflag:$0x7], $0x80, $0x38;
	[tilespmem:$0x380] =	vst v63  }
0x3d: {  	_ =	swait.ge [sflag:s4], $0x80  }
0x3e: {  	s30 =	sadd.s32 $0xFFFFFFFF, s30;
	[sflag:s4] =	ssyncset.done $0x0  }
.LBB2_1:
0x3f: {  	p0 =	sne.s32 s30, $0x1;
	s30 =	sadd.s32 $0xFFFFFFFF, s30;
	[sflag:s4] =	ssyncadd.s32 $0xFFFFFF80  }
0x40: {  	[tilespmem:s3], [sflag:$0x7] =	stream.linear.gather [hbm4b:s5+s3], $0x80, $0x38;
	[tilespmem:$0x380] =	vst v63  }
0x41: {  	_ =	swait.ge [sflag:s4], $0x80  }
0x42: {  	[sflag:s4] =	ssyncset.done $0x0  }
0x43: {  	[sflag:s4] =	ssyncadd.s32 $0xFFFFFF80  }
0x44: {  	[tilespmem:s7], [sflag:$0x1] =	stream.indirect.gather [hbm4b:s6+s7], $0x1, s3, s7, $0xb8;
	[tilespmem:$0x380] =	vst v63  }
0x45: {  	_ = 	snop  }
0x46: {  	[tilespmem:s9], [sflag:$0x2] =	stream.indirect.gather [hbm4b:s8+s7], $0x1, s3, s7, $0xb8;
	[tilespmem:$0x380] =	vst v63  }
0x47: {  	_ = 	snop  }
0x48: {  	[tilespmem:s10], [sflag:$0x3] =	stream.indirect.gather [hbm4b:s2+s7], $0x1, s3, s7, $0xb8;
	[tilespmem:$0x380] =	vst v63  }
0x49: {  	_ = 	snop  }
0x4a: {  	[tilespmem:s12], [sflag:$0x4] =	stream.indirect.gather [hbm4b:s11+s7], $0x1, s3, s7, $0xb8;
	[tilespmem:$0x380] =	vst v63  }
0x4b: {  	_ = 	snop  }
0x4c: {  	[tilespmem:s14], [sflag:$0x5] =	stream.indirect.gather [hbm4b:s13+s7], $0x1, s3, s7, $0xb8;
	[tilespmem:$0x380] =	vst v63  }
0x4d: {  	_ = 	snop  }
0x4e: {  	[tilespmem:s16], [sflag:$0x6] =	stream.indirect.gather [hbm4b:s15+s7], $0x1, s3, s7, $0xb8;
	[tilespmem:$0x380] =	vst v63  }
0x4f: {  	_ =	swait.ge [sflag:s17], $0x80  }
0x50: {  	[sflag:s17] =	ssyncset.done $0x0  }
0x51: {  	[sflag:s17] =	ssyncadd.s32 $0xFFFFFF80  }
0x52: {  	_ =	swait.ge [sflag:s18], $0x80  }
0x53: {  	[sflag:s18] =	ssyncset.done $0x0  }
0x54: {  	[sflag:s18] =	ssyncadd.s32 $0xFFFFFF80  }
0x55: {  	_ =	swait.ge [sflag:s19], $0x80  }
0x56: {  	[sflag:s19] =	ssyncset.done $0x0  }
0x57: {  	[sflag:s19] =	ssyncadd.s32 $0xFFFFFF80  }
0x58: {  	_ =	swait.ge [sflag:s20], $0x80  }
0x59: {  	[sflag:s20] =	ssyncset.done $0x0  }
0x5a: {  	[sflag:s20] =	ssyncadd.s32 $0xFFFFFF80  }
0x5b: {  	_ =	swait.ge [sflag:s21], $0x80  }
0x5c: {  	[sflag:s21] =	ssyncset.done $0x0  }
0x5d: {  	[sflag:s21] =	ssyncadd.s32 $0xFFFFFF80  }
0x5e: {  	_ =	swait.ge [sflag:s22], $0x80  }
0x5f: {  	[sflag:s22] =	ssyncset.done $0x0  }
0x60: {  	[sflag:s22] =	ssyncadd.s32 $0xFFFFFF80  }
0x61: {  	[hbm4b:s23+s3] =	stream.linear.scatter [tilespmem:s7], [sflag:$0x7], $0x80, $0x38;
	[tilespmem:$0x380] =	vst v63  }
0x62: {  	_ =	swait.ge [sflag:s4], $0x80  }
0x63: {  	[sflag:s4] =	ssyncset.done $0x0  }
0x64: {  	[sflag:s4] =	ssyncadd.s32 $0xFFFFFF80  }
0x65: {  	[hbm4b:s24+s3] =	stream.linear.scatter [tilespmem:s9], [sflag:$0x7], $0x80, $0x38;
	[tilespmem:$0x380] =	vst v63  }
0x66: {  	_ =	swait.ge [sflag:s4], $0x80  }
0x67: {  	[sflag:s4] =	ssyncset.done $0x0  }
0x68: {  	[sflag:s4] =	ssyncadd.s32 $0xFFFFFF80  }
0x69: {  	[hbm4b:s25+s3] =	stream.linear.scatter [tilespmem:s10], [sflag:$0x7], $0x80, $0x38;
	[tilespmem:$0x380] =	vst v63  }
0x6a: {  	_ =	swait.ge [sflag:s4], $0x80  }
0x6b: {  	[sflag:s4] =	ssyncset.done $0x0  }
0x6c: {  	[sflag:s4] =	ssyncadd.s32 $0xFFFFFF80  }
0x6d: {  	[hbm4b:s26+s3] =	stream.linear.scatter [tilespmem:s12], [sflag:$0x7], $0x80, $0x38;
	[tilespmem:$0x380] =	vst v63  }
0x6e: {  	_ =	swait.ge [sflag:s4], $0x80  }
0x6f: {  	[sflag:s4] =	ssyncset.done $0x0  }
0x70: {  	[sflag:s4] =	ssyncadd.s32 $0xFFFFFF80  }
0x71: {  	[hbm4b:s28+s3] =	stream.linear.scatter [tilespmem:s14], [sflag:$0x7], $0x80, $0x38;
	[tilespmem:$0x380] =	vst v63  }
0x72: {  	_ =	swait.ge [sflag:s4], $0x80  }
.Ltmp1:
0x73: {  	[sflag:s4] =	ssyncset.done $0x0;
	(pc) =	sbr.rel @p0 .LBB2_1-.Ltmp1, $4  }
0x74: {  	[sflag:s4] =	ssyncadd.s32 $0xFFFFFF80  }
0x75: {  	[hbm4b:s29+s3] =	stream.linear.scatter [tilespmem:s16], [sflag:$0x7], $0x80, $0x38;
	[tilespmem:$0x380] =	vst v63  }
0x76: {  	_ =	swait.ge [sflag:s4], $0x80  }
0x77: {  	[sflag:s4] =	ssyncset.done $0x0  }
.LBB2_2:
0x78: {  	[sflag:s4] =	ssyncadd.s32 $0xFFFFFF80  }
0x79: {  	_ =	sfence.sel $0x180000  }
0x7a: {  	[bflag:$0x0] =	sbarrier.arrive $0xFFFF  }
0x7b: {  	p0 =	sne.s32 s0, $0x0;
	_ =	strace $0x90000047  }
0x7c: {  	s0 =	sadd.s32 @!p0 $0x100000, s1;
	[bflag:$0x2] =	sbarrier.arrive $0xFFFF  }
0x7d: {  	[sflag:s0] =	ssyncadd.tile.s32 @!p0 $0x1;
	_ =	shalt  }
.Lfunc_end2:
_tile_overlayer_lowered:
.L_overlay_start_2:
0x7e: {  	(tag) =	ssettag $0x2  }
0x7f: {  	s0 =	rddreg [dreg:$0x0];
	s2 =	stileid.u32  }
0x80: {  	s1 =	rddreg [dreg:$0x1];
	p0 =	sne.s32 s2, $0x0  }
0x81: {  	s3 =	rddreg [dreg:$0x2];
	[bflag:$0x3] =	sbarrier.arrive $0xFFFF;
	s2 =	simm.s32 @!p0 $0x1C07  }
0x82: {  	[timem:s3], [sflag:s2] =	dma.local @!p0 [hbm:s0], s1  }
0x83: {  	s0 =	simm.s32 @!p0 $0x7  }
0x84: {  	_ =	swait.ge @!p0 [sflag:s0], s1  }
0x85: {  	s1 =	ssub.s32 @!p0 $0x0, s1;
	[sflag:s0] =	ssyncset.done @!p0 $0x0  }
0x86: {  	[sflag:s0] =	ssyncadd.s32 @!p0 s1  }
0x87: {  	[bflag:$0x3] =	sbarrier.arrive $0xFFFF  }
0x88: {  	_ =	shalt  }

</sc_bundles>
